<compile_context>
chip_gen: v7x
topology: tpu7x:2x2x1
jax: 0.10.2.dev20260603
libtpu: 0.0.44.dev20260713+nightly
codegen_flags: <defaults>
</compile_context>

<pallas_src>
import jax
import jax.numpy as jnp
from jax import lax
from jax.experimental import pallas as pl
from jax.experimental.pallas import tpu as pltpu
from jax.experimental.pallas import tpu_sc as plsc

N_NODES = 10000
N_EDGES = 320000
D = 128

NC = 2
NS = 16
NW = NC * NS
CH = 80
EPT = 10240
NCHUNK = EPT // CH
E_PAD = NW * EPT
ROWS_PAD = 10240
RPT = ROWS_PAD // NS
RPC = RPT // CH

TC_BLK = 400


def _tc1_body(x_ref, wlt_ref, wllt_ref, wrt_ref, g_ref, r_ref):
    h = jnp.dot(x_ref[...], wlt_ref[...], preferred_element_type=jnp.float32)
    g_ref[...] = jnp.dot(h, wllt_ref[...], preferred_element_type=jnp.float32)
    r_ref[...] = jnp.dot(h, wrt_ref[...], preferred_element_type=jnp.float32)


def _tc1(x, wlt, wllt, wrt):
    grid = N_NODES // TC_BLK
    return pl.pallas_call(
        _tc1_body,
        grid=(grid,),
        in_specs=[
            pl.BlockSpec((TC_BLK, D), lambda i: (i, 0)),
            pl.BlockSpec((D, D), lambda i: (0, 0)),
            pl.BlockSpec((D, D), lambda i: (0, 0)),
            pl.BlockSpec((D, D), lambda i: (0, 0)),
        ],
        out_specs=[
            pl.BlockSpec((TC_BLK, D), lambda i: (i, 0)),
            pl.BlockSpec((TC_BLK, D), lambda i: (i, 0)),
        ],
        out_shape=[
            jax.ShapeDtypeStruct((N_NODES, D), jnp.float32),
            jax.ShapeDtypeStruct((N_NODES, D), jnp.float32),
        ],
    )(x, wlt, wllt, wrt)


def _sc_body(g_hbm, src_hbm, dst_hbm, zrow_hbm, ones_hbm,
             acc_out, cnt_out,
             sidx_v, didx_v, rows_v, ones_v, acc_sh, sem):
    c = lax.axis_index("c")
    s = lax.axis_index("s")

    pltpu.sync_copy(zrow_hbm, rows_v)
    pltpu.sync_copy(ones_hbm, ones_v)

    def initacc(k, carry):
        rb = pl.multiple_of(s * RPT + k * CH, CH)
        pltpu.sync_copy(rows_v, acc_sh.at[pl.ds(rb, CH)])
        return carry

    lax.fori_loop(0, RPC, initacc, 0)
    plsc.subcore_barrier()

    ebase = (c * NS + s) * EPT

    def feat(j, carry):
        off = pl.multiple_of(ebase + j * CH, CH)
        pltpu.sync_copy(src_hbm.at[pl.ds(off, CH)], sidx_v)
        pltpu.sync_copy(dst_hbm.at[pl.ds(off, CH)], didx_v)
        pltpu.async_copy(g_hbm.at[sidx_v], rows_v, sem).wait()
        pltpu.sync_copy(rows_v, acc_sh.at[didx_v], add=True)
        return carry

    lax.fori_loop(0, NCHUNK, feat, 0)
    plsc.subcore_barrier()

    for k in range(RPC):
        rb = pl.multiple_of(s * RPT + k * CH, CH)
        pltpu.sync_copy(acc_sh.at[pl.ds(rb, CH)], rows_v)
        pltpu.sync_copy(rows_v, acc_out.at[c, pl.ds(rb, CH)])

    pltpu.sync_copy(zrow_hbm, rows_v)
    lax.fori_loop(0, RPC, initacc, 0)
    plsc.subcore_barrier()

    def hist(j, carry):
        off = pl.multiple_of(ebase + j * CH, CH)
        pltpu.sync_copy(dst_hbm.at[pl.ds(off, CH)], didx_v)
        pltpu.sync_copy(ones_v, acc_sh.at[didx_v], add=True)
        return carry

    lax.fori_loop(0, NCHUNK, hist, 0)
    plsc.subcore_barrier()

    for k in range(RPC):
        rb = pl.multiple_of(s * RPT + k * CH, CH)
        pltpu.sync_copy(acc_sh.at[pl.ds(rb, CH)], rows_v)
        pltpu.sync_copy(rows_v, cnt_out.at[c, pl.ds(rb, CH)])


_sc_agg = pl.kernel(
    _sc_body,
    out_type=[
        jax.ShapeDtypeStruct((NC, ROWS_PAD, D), jnp.float32),
        jax.ShapeDtypeStruct((NC, ROWS_PAD, D), jnp.float32),
    ],
    mesh=plsc.VectorSubcoreMesh(core_axis_name="c", subcore_axis_name="s"),
    scratch_types=[
        pltpu.VMEM((CH,), jnp.int32),
        pltpu.VMEM((CH,), jnp.int32),
        pltpu.VMEM((CH, D), jnp.float32),
        pltpu.VMEM((CH, D), jnp.float32),
        pltpu.VMEM_SHARED((ROWS_PAD, D), jnp.float32),
        pltpu.SemaphoreType.DMA,
    ],
)


def _tc2_body(a0_ref, a1_ref, c0_ref, c1_ref, r_ref, bl_ref, gam_ref,
              bet_ref, o_ref):
    ssum = a0_ref[...] + a1_ref[...]
    cnt = c0_ref[:, :1] + c1_ref[:, :1]
    u = ssum / jnp.maximum(cnt, 1.0) + bl_ref[...] + r_ref[...]
    mu = jnp.mean(u, axis=-1, keepdims=True)
    d = u - mu
    var = jnp.mean(d * d, axis=-1, keepdims=True)
    ln = d * lax.rsqrt(var + 1e-5) * gam_ref[...] + bet_ref[...]
    o_ref[...] = jnp.maximum(ln, 0.0)


def _tc2(a0, a1, c0, c1, r, bl, gam, bet):
    grid = N_NODES // TC_BLK
    return pl.pallas_call(
        _tc2_body,
        grid=(grid,),
        in_specs=[
            pl.BlockSpec((TC_BLK, D), lambda i: (i, 0)),
            pl.BlockSpec((TC_BLK, D), lambda i: (i, 0)),
            pl.BlockSpec((TC_BLK, D), lambda i: (i, 0)),
            pl.BlockSpec((TC_BLK, D), lambda i: (i, 0)),
            pl.BlockSpec((TC_BLK, D), lambda i: (i, 0)),
            pl.BlockSpec((1, D), lambda i: (0, 0)),
            pl.BlockSpec((1, D), lambda i: (0, 0)),
            pl.BlockSpec((1, D), lambda i: (0, 0)),
        ],
        out_specs=pl.BlockSpec((TC_BLK, D), lambda i: (i, 0)),
        out_shape=jax.ShapeDtypeStruct((N_NODES, D), jnp.float32),
    )(a0, a1, c0, c1, r, bl, gam, bet)


def kernel(x, edge_index, W_lin, W_l, b_l, W_r, gamma, beta):
    ei = edge_index.astype(jnp.int32)
    pad = E_PAD - N_EDGES
    src = jnp.concatenate([ei[0], jnp.zeros((pad,), jnp.int32)])
    dst = jnp.concatenate([ei[1], jnp.full((pad,), N_NODES, jnp.int32)])

    g, r = _tc1(x, W_lin.T, W_l.T, W_r.T)

    zrow = jnp.zeros((CH, D), jnp.float32)
    ones = jnp.ones((CH, D), jnp.float32)
    acc, cnt = _sc_agg(g, src, dst, zrow, ones)

    return _tc2(acc[0], acc[1], cnt[0], cnt[1], r,
                b_l.reshape(1, D), gamma.reshape(1, D), beta.reshape(1, D))

# --- scband reference (transcript-rebuilt; emitter-appended) ---
"""Pipeline reference for scband-euc-sage-layer-9869834846892 (READ-ONLY COPY).

The authoritative reference and input builder live on the scoring server;
editing this copy changes nothing except your own understanding.
"""

import jax, jax.numpy as jnp
import numpy as np

N_NODES = 10000
N_EDGES = 320000
D = 128

def setup_inputs(seed: int = 0) -> dict:
    key = jax.random.key(seed)
    ks = jax.random.split(key, 8)
    x = jax.random.normal(ks[0], (N_NODES, D), dtype=jnp.float32)
    edge_index = jax.random.randint(ks[1], (2, N_EDGES), 0, N_NODES, dtype=jnp.int64)
    s = 1.0 / np.sqrt(D)
    W_lin = jax.random.uniform(ks[2], (D, D), dtype=jnp.float32, minval=-s, maxval=s)
    W_l = jax.random.uniform(ks[3], (D, D), dtype=jnp.float32, minval=-s, maxval=s)
    b_l = jnp.zeros((D,), dtype=jnp.float32)
    W_r = jax.random.uniform(ks[4], (D, D), dtype=jnp.float32, minval=-s, maxval=s)
    gamma = jnp.ones((D,), dtype=jnp.float32)
    beta = jnp.zeros((D,), dtype=jnp.float32)
    return {"x": x, "edge_index": edge_index, "W_lin": W_lin, "W_l": W_l, "b_l": b_l, "W_r": W_r, "gamma": gamma, "beta": beta}

def reference(x, edge_index, W_lin, W_l, b_l, W_r, gamma, beta):
    # EucLinear: linear (no bias used in forward), scale=1.0, dropout is identity in eval
    h = x @ W_lin.T
    # SAGEConv (PyG default): mean aggregation of source features into dst,
    # out = lin_l(mean_j h_j) + lin_r(h_i), lin_l has bias, lin_r no bias
    src = edge_index[0]
    dst = edge_index[1]
    msgs = jnp.take(h, src, axis=0)
    summed = jax.ops.segment_sum(msgs, dst, num_segments=N_NODES)
    counts = jax.ops.segment_sum(jnp.ones((msgs.shape[0],), dtype=h.dtype), dst, num_segments=N_NODES)
    mean = summed / jnp.maximum(counts, 1.0)[:, None]
    out = mean @ W_l.T + b_l + h @ W_r.T
    # EucNorm: LayerNorm over last dim (eps=1e-5)
    mu = jnp.mean(out, axis=-1, keepdims=True)
    var = jnp.mean((out - mu) ** 2, axis=-1, keepdims=True)
    ln = (out - mu) / jnp.sqrt(var + 1e-5) * gamma + beta
    # EucAct: ReLU
    return jax.nn.relu(ln)

if __name__ == "__main__":
    import jax
    _d = setup_inputs()
    print(jax.jit(kernel)(*tuple(_d.values())))

</pallas_src>

<mosaic_0001>
#map = affine_map<(d0, d1) -> (0, 0)>
#map1 = affine_map<(d0, d1) -> (0)>
#map2 = affine_map<(d0, d1) -> (0, 0, 0)>
module attributes {stable_mosaic.version = 14 : i64} {
  func.func @_sc_body(%arg0: i32, %arg1: i32, %arg2: memref<10000x128xf32, #tpu.memory_space<hbm>>, %arg3: memref<327680xi32, #tpu.memory_space<hbm>>, %arg4: memref<327680xi32, #tpu.memory_space<hbm>>, %arg5: memref<80x128xf32, #tpu.memory_space<hbm>>, %arg6: memref<80x128xf32, #tpu.memory_space<hbm>>, %arg7: memref<2x10240x128xf32, #tpu.memory_space<hbm>>, %arg8: memref<2x10240x128xf32, #tpu.memory_space<hbm>>, %arg9: memref<80xi32, #tpu.memory_space<vmem>>, %arg10: memref<80xi32, #tpu.memory_space<vmem>>, %arg11: memref<80x128xf32, #tpu.memory_space<vmem>>, %arg12: memref<80x128xf32, #tpu.memory_space<vmem>>, %arg13: memref<10240x128xf32, #tpu.memory_space<vmem_shared>>, %arg14: memref<!tpu.dma_semaphore, #tpu.memory_space<semaphore_mem>>) attributes {dimension_semantics = [#tpu.dimension_semantics<core_parallel>, #tpu.dimension_semantics<subcore_parallel>], iteration_bounds = array<i64: 2, 16>, scalar_prefetch = 0 : i64, scratch_operands = 6 : i64, tpu.core_type = #tpu.core_type<sc_vector_subcore>, window_params = [{transform_indices = #map}, {transform_indices = #map1}, {transform_indices = #map1}, {transform_indices = #map}, {transform_indices = #map}, {transform_indices = #map2}, {transform_indices = #map2}]} {
    "tpu.region"() ({
      %run_scoped3A = tpu.sem_alloc : memref<!tpu.dma_semaphore, #tpu.memory_space<semaphore_mem>>
      tpu.enqueue_dma source(%arg5 : memref<80x128xf32, #tpu.memory_space<hbm>>) target(%arg11 : memref<80x128xf32, #tpu.memory_space<vmem>>) target_semaphore(%run_scoped3A : memref<!tpu.dma_semaphore, #tpu.memory_space<semaphore_mem>>)
      tpu.wait_dma2 semaphore(%run_scoped3A : memref<!tpu.dma_semaphore, #tpu.memory_space<semaphore_mem>>) src(%arg5 : memref<80x128xf32, #tpu.memory_space<hbm>>) dst(%arg11 : memref<80x128xf32, #tpu.memory_space<vmem>>)
      tpu.yield
    }) : () -> ()
    "tpu.region"() ({
      %run_scoped3A = tpu.sem_alloc : memref<!tpu.dma_semaphore, #tpu.memory_space<semaphore_mem>>
      tpu.enqueue_dma source(%arg6 : memref<80x128xf32, #tpu.memory_space<hbm>>) target(%arg12 : memref<80x128xf32, #tpu.memory_space<vmem>>) target_semaphore(%run_scoped3A : memref<!tpu.dma_semaphore, #tpu.memory_space<semaphore_mem>>)
      tpu.wait_dma2 semaphore(%run_scoped3A : memref<!tpu.dma_semaphore, #tpu.memory_space<semaphore_mem>>) src(%arg6 : memref<80x128xf32, #tpu.memory_space<hbm>>) dst(%arg12 : memref<80x128xf32, #tpu.memory_space<vmem>>)
      tpu.yield
    }) : () -> ()
    %scan3A = arith.constant 0 : i32
    %scan3A_0 = arith.constant 0 : i32
    %scan3A_1 = arith.constant 8 : i32
    %scan3A_2 = arith.addi %scan3A_0, %scan3A_1 : i32
    %scan3A_3 = arith.constant 1 : i32
    scf.for %scan3A_108 = %scan3A_0 to %scan3A_2 step %scan3A_3  : i32 {
      %mul3A_109 = arith.constant 640 : i32
      %mul3A_110 = arith.muli %arg1, %mul3A_109 : i32
      %mul3A_111 = arith.constant 80 : i32
      %mul3A_112 = arith.muli %scan3A_108, %mul3A_111 : i32
      %add3A_113 = arith.addi %mul3A_110, %mul3A_112 : i32
      %multiple_of3A_114 = tpu.assume_multiple %add3A_113, 80 : i32
      "tpu.region"() ({
        %run_scoped3A = tpu.sem_alloc : memref<!tpu.dma_semaphore, #tpu.memory_space<semaphore_mem>>
        %dma_start3A = arith.constant 0 : i32
        %dma_start3A_115 = tpu.memref_slice %arg13[%multiple_of3A_114, %dma_start3A] : memref<10240x128xf32, #tpu.memory_space<vmem_shared>> -> memref<80x128xf32, #tpu.memory_space<vmem_shared>>
        %dma_start3A_116 = arith.constant 0 : i32
        %dma_start3A_117 = tpu.memref_slice %arg13[%multiple_of3A_114, %dma_start3A_116] : memref<10240x128xf32, #tpu.memory_space<vmem_shared>> -> memref<80x128xf32, #tpu.memory_space<vmem_shared>>
        tpu.enqueue_dma source(%arg11 : memref<80x128xf32, #tpu.memory_space<vmem>>) target(%dma_start3A_117 : memref<80x128xf32, #tpu.memory_space<vmem_shared>>) target_semaphore(%run_scoped3A : memref<!tpu.dma_semaphore, #tpu.memory_space<semaphore_mem>>)
        %dma_wait3A = arith.constant 0 : i32
        %dma_wait3A_118 = tpu.memref_slice %arg13[%multiple_of3A_114, %dma_wait3A] : memref<10240x128xf32, #tpu.memory_space<vmem_shared>> -> memref<80x128xf32, #tpu.memory_space<vmem_shared>>
        %dma_wait3A_119 = arith.constant 0 : i32
        %dma_wait3A_120 = tpu.memref_slice %arg13[%multiple_of3A_114, %dma_wait3A_119] : memref<10240x128xf32, #tpu.memory_space<vmem_shared>> -> memref<80x128xf32, #tpu.memory_space<vmem_shared>>
        tpu.wait_dma2 semaphore(%run_scoped3A : memref<!tpu.dma_semaphore, #tpu.memory_space<semaphore_mem>>) src(%arg11 : memref<80x128xf32, #tpu.memory_space<vmem>>) dst(%dma_wait3A_120 : memref<80x128xf32, #tpu.memory_space<vmem_shared>>)
        tpu.yield
      }) : () -> ()
    }
    %scan3A_4 = arith.constant 8 : i32
    %barrier3A = arith.constant 0 : index
    tpu.barrier barrier_id(%barrier3A)
    %mul3A = arith.constant 16 : i32
    %mul3A_5 = arith.muli %arg0, %mul3A : i32
    %add3A = arith.addi %mul3A_5, %arg1 : i32
    %mul3A_6 = arith.constant 10240 : i32
    %mul3A_7 = arith.muli %add3A, %mul3A_6 : i32
    %scan3A_8 = arith.constant 0 : i32
    %scan3A_9 = arith.constant 0 : i32
    %scan3A_10 = arith.constant 128 : i32
    %scan3A_11 = arith.addi %scan3A_9, %scan3A_10 : i32
    %scan3A_12 = arith.constant 1 : i32
    scf.for %scan3A_108 = %scan3A_9 to %scan3A_11 step %scan3A_12  : i32 {
      %mul3A_109 = arith.constant 80 : i32
      %mul3A_110 = arith.muli %scan3A_108, %mul3A_109 : i32
      %add3A_111 = arith.addi %mul3A_7, %mul3A_110 : i32
      %multiple_of3A_112 = tpu.assume_multiple %add3A_111, 80 : i32
      "tpu.region"() ({
        %run_scoped3A = tpu.sem_alloc : memref<!tpu.dma_semaphore, #tpu.memory_space<semaphore_mem>>
        %dma_start3A_117 = tpu.memref_slice %arg3[%multiple_of3A_112] : memref<327680xi32, #tpu.memory_space<hbm>> -> memref<80xi32, #tpu.memory_space<hbm>>
        %dma_start3A_118 = tpu.memref_slice %arg3[%multiple_of3A_112] : memref<327680xi32, #tpu.memory_space<hbm>> -> memref<80xi32, #tpu.memory_space<hbm>>
        tpu.enqueue_dma source(%dma_start3A_118 : memref<80xi32, #tpu.memory_space<hbm>>) target(%arg9 : memref<80xi32, #tpu.memory_space<vmem>>) target_semaphore(%run_scoped3A : memref<!tpu.dma_semaphore, #tpu.memory_space<semaphore_mem>>)
        %dma_wait3A_119 = tpu.memref_slice %arg3[%multiple_of3A_112] : memref<327680xi32, #tpu.memory_space<hbm>> -> memref<80xi32, #tpu.memory_space<hbm>>
        %dma_wait3A_120 = tpu.memref_slice %arg3[%multiple_of3A_112] : memref<327680xi32, #tpu.memory_space<hbm>> -> memref<80xi32, #tpu.memory_space<hbm>>
        tpu.wait_dma2 semaphore(%run_scoped3A : memref<!tpu.dma_semaphore, #tpu.memory_space<semaphore_mem>>) src(%dma_wait3A_120 : memref<80xi32, #tpu.memory_space<hbm>>) dst(%arg9 : memref<80xi32, #tpu.memory_space<vmem>>)
        tpu.yield
      }) : () -> ()
      "tpu.region"() ({
        %run_scoped3A = tpu.sem_alloc : memref<!tpu.dma_semaphore, #tpu.memory_space<semaphore_mem>>
        %dma_start3A_117 = tpu.memref_slice %arg4[%multiple_of3A_112] : memref<327680xi32, #tpu.memory_space<hbm>> -> memref<80xi32, #tpu.memory_space<hbm>>
        %dma_start3A_118 = tpu.memref_slice %arg4[%multiple_of3A_112] : memref<327680xi32, #tpu.memory_space<hbm>> -> memref<80xi32, #tpu.memory_space<hbm>>
        tpu.enqueue_dma source(%dma_start3A_118 : memref<80xi32, #tpu.memory_space<hbm>>) target(%arg10 : memref<80xi32, #tpu.memory_space<vmem>>) target_semaphore(%run_scoped3A : memref<!tpu.dma_semaphore, #tpu.memory_space<semaphore_mem>>)
        %dma_wait3A_119 = tpu.memref_slice %arg4[%multiple_of3A_112] : memref<327680xi32, #tpu.memory_space<hbm>> -> memref<80xi32, #tpu.memory_space<hbm>>
        %dma_wait3A_120 = tpu.memref_slice %arg4[%multiple_of3A_112] : memref<327680xi32, #tpu.memory_space<hbm>> -> memref<80xi32, #tpu.memory_space<hbm>>
        tpu.wait_dma2 semaphore(%run_scoped3A : memref<!tpu.dma_semaphore, #tpu.memory_space<semaphore_mem>>) src(%dma_wait3A_120 : memref<80xi32, #tpu.memory_space<hbm>>) dst(%arg10 : memref<80xi32, #tpu.memory_space<vmem>>)
        tpu.yield
      }) : () -> ()
      %dma_start3A = arith.constant 0 : i32
      %dma_start3A_113 = arith.constant 0 : i32
      %dma_start3A_114 = tpu.memref_slice %arg2[%dma_start3A, %dma_start3A_113] : memref<10000x128xf32, #tpu.memory_space<hbm>> -> memref<10000x128xf32, #tpu.memory_space<hbm>>
      tpu.enqueue_indirect_dma source(%dma_start3A_114 : memref<10000x128xf32, #tpu.memory_space<hbm>>) target(%arg11 : memref<80x128xf32, #tpu.memory_space<vmem>>) offsets(%arg9 : memref<80xi32, #tpu.memory_space<vmem>>) semaphore(%arg14 : memref<!tpu.dma_semaphore, #tpu.memory_space<semaphore_mem>>)
      %dma_wait3A = arith.constant 0 : i32
      %dma_wait3A_115 = arith.constant 0 : i32
      %dma_wait3A_116 = tpu.memref_slice %arg2[%dma_wait3A, %dma_wait3A_115] : memref<10000x128xf32, #tpu.memory_space<hbm>> -> memref<10000x128xf32, #tpu.memory_space<hbm>>
      tpu.wait_indirect_dma semaphore(%arg14 : memref<!tpu.dma_semaphore, #tpu.memory_space<semaphore_mem>>) src(%dma_wait3A_116 : memref<10000x128xf32, #tpu.memory_space<hbm>>) dst(%arg11 : memref<80x128xf32, #tpu.memory_space<vmem>>)
      "tpu.region"() ({
        %run_scoped3A = tpu.sem_alloc : memref<!tpu.dma_semaphore, #tpu.memory_space<semaphore_mem>>
        %dma_start3A_117 = arith.constant 0 : i32
        %dma_start3A_118 = arith.constant 0 : i32
        %dma_start3A_119 = tpu.memref_slice %arg13[%dma_start3A_117, %dma_start3A_118] : memref<10240x128xf32, #tpu.memory_space<vmem_shared>> -> memref<10240x128xf32, #tpu.memory_space<vmem_shared>>
        tpu.enqueue_indirect_dma source(%arg11 : memref<80x128xf32, #tpu.memory_space<vmem>>) target(%dma_start3A_119 : memref<10240x128xf32, #tpu.memory_space<vmem_shared>>) offsets(%arg10 : memref<80xi32, #tpu.memory_space<vmem>>) semaphore(%run_scoped3A : memref<!tpu.dma_semaphore, #tpu.memory_space<semaphore_mem>>) {add = true}
        %dma_wait3A_120 = arith.constant 0 : i32
        %dma_wait3A_121 = arith.constant 0 : i32
        %dma_wait3A_122 = tpu.memref_slice %arg13[%dma_wait3A_120, %dma_wait3A_121] : memref<10240x128xf32, #tpu.memory_space<vmem_shared>> -> memref<10240x128xf32, #tpu.memory_space<vmem_shared>>
        tpu.wait_indirect_dma semaphore(%run_scoped3A : memref<!tpu.dma_semaphore, #tpu.memory_space<semaphore_mem>>) src(%arg11 : memref<80x128xf32, #tpu.memory_space<vmem>>) dst(%dma_wait3A_122 : memref<10240x128xf32, #tpu.memory_space<vmem_shared>>)
        tpu.yield
      }) : () -> ()
    }
    %scan3A_13 = arith.constant 128 : i32
    %barrier3A_14 = arith.constant 0 : index
    tpu.barrier barrier_id(%barrier3A_14)
    %mul3A_15 = arith.constant 640 : i32
    %mul3A_16 = arith.muli %arg1, %mul3A_15 : i32
    %add3A_17 = arith.constant 0 : i32
    %add3A_18 = arith.addi %mul3A_16, %add3A_17 : i32
    %multiple_of3A = tpu.assume_multiple %add3A_18, 80 : i32
    "tpu.region"() ({
      %run_scoped3A = tpu.sem_alloc : memref<!tpu.dma_semaphore, #tpu.memory_space<semaphore_mem>>
      %dma_start3A = arith.constant 0 : i32
      %dma_start3A_108 = tpu.memref_slice %arg13[%multiple_of3A, %dma_start3A] : memref<10240x128xf32, #tpu.memory_space<vmem_shared>> -> memref<80x128xf32, #tpu.memory_space<vmem_shared>>
      %dma_start3A_109 = arith.constant 0 : i32
      %dma_start3A_110 = tpu.memref_slice %arg13[%multiple_of3A, %dma_start3A_109] : memref<10240x128xf32, #tpu.memory_space<vmem_shared>> -> memref<80x128xf32, #tpu.memory_space<vmem_shared>>
      tpu.enqueue_dma source(%dma_start3A_110 : memref<80x128xf32, #tpu.memory_space<vmem_shared>>) target(%arg11 : memref<80x128xf32, #tpu.memory_space<vmem>>) target_semaphore(%run_scoped3A : memref<!tpu.dma_semaphore, #tpu.memory_space<semaphore_mem>>)
      %dma_wait3A = arith.constant 0 : i32
      %dma_wait3A_111 = tpu.memref_slice %arg13[%multiple_of3A, %dma_wait3A] : memref<10240x128xf32, #tpu.memory_space<vmem_shared>> -> memref<80x128xf32, #tpu.memory_space<vmem_shared>>
      %dma_wait3A_112 = arith.constant 0 : i32
      %dma_wait3A_113 = tpu.memref_slice %arg13[%multiple_of3A, %dma_wait3A_112] : memref<10240x128xf32, #tpu.memory_space<vmem_shared>> -> memref<80x128xf32, #tpu.memory_space<vmem_shared>>
      tpu.wait_dma2 semaphore(%run_scoped3A : memref<!tpu.dma_semaphore, #tpu.memory_space<semaphore_mem>>) src(%dma_wait3A_113 : memref<80x128xf32, #tpu.memory_space<vmem_shared>>) dst(%arg11 : memref<80x128xf32, #tpu.memory_space<vmem>>)
      tpu.yield
    }) : () -> ()
    "tpu.region"() ({
      %run_scoped3A = tpu.sem_alloc : memref<!tpu.dma_semaphore, #tpu.memory_space<semaphore_mem>>
      %dma_start3A = arith.constant 0 : i32
      %dma_start3A_108 = tpu.memref_slice %arg7[%arg0, %multiple_of3A, %dma_start3A] : memref<2x10240x128xf32, #tpu.memory_space<hbm>> -> memref<1x80x128xf32, #tpu.memory_space<hbm>>
      %dma_start3A_109 = tpu.memref_squeeze %dma_start3A_108 : memref<1x80x128xf32, #tpu.memory_space<hbm>> -> memref<80x128xf32, #tpu.memory_space<hbm>>
      %dma_start3A_110 = arith.constant 0 : i32
      %dma_start3A_111 = tpu.memref_slice %arg7[%arg0, %multiple_of3A, %dma_start3A_110] : memref<2x10240x128xf32, #tpu.memory_space<hbm>> -> memref<1x80x128xf32, #tpu.memory_space<hbm>>
      %dma_start3A_112 = tpu.memref_squeeze %dma_start3A_111 : memref<1x80x128xf32, #tpu.memory_space<hbm>> -> memref<80x128xf32, #tpu.memory_space<hbm>>
      tpu.enqueue_dma source(%arg11 : memref<80x128xf32, #tpu.memory_space<vmem>>) target(%dma_start3A_112 : memref<80x128xf32, #tpu.memory_space<hbm>>) target_semaphore(%run_scoped3A : memref<!tpu.dma_semaphore, #tpu.memory_space<semaphore_mem>>)
      %dma_wait3A = arith.constant 0 : i32
      %dma_wait3A_113 = tpu.memref_slice %arg7[%arg0, %multiple_of3A, %dma_wait3A] : memref<2x10240x128xf32, #tpu.memory_space<hbm>> -> memref<1x80x128xf32, #tpu.memory_space<hbm>>
      %dma_wait3A_114 = tpu.memref_squeeze %dma_wait3A_113 : memref<1x80x128xf32, #tpu.memory_space<hbm>> -> memref<80x128xf32, #tpu.memory_space<hbm>>
      %dma_wait3A_115 = arith.constant 0 : i32
      %dma_wait3A_116 = tpu.memref_slice %arg7[%arg0, %multiple_of3A, %dma_wait3A_115] : memref<2x10240x128xf32, #tpu.memory_space<hbm>> -> memref<1x80x128xf32, #tpu.memory_space<hbm>>
      %dma_wait3A_117 = tpu.memref_squeeze %dma_wait3A_116 : memref<1x80x128xf32, #tpu.memory_space<hbm>> -> memref<80x128xf32, #tpu.memory_space<hbm>>
      tpu.wait_dma2 semaphore(%run_scoped3A : memref<!tpu.dma_semaphore, #tpu.memory_space<semaphore_mem>>) src(%arg11 : memref<80x128xf32, #tpu.memory_space<vmem>>) dst(%dma_wait3A_117 : memref<80x128xf32, #tpu.memory_space<hbm>>)
      tpu.yield
    }) : () -> ()
    %mul3A_19 = arith.constant 640 : i32
    %mul3A_20 = arith.muli %arg1, %mul3A_19 : i32
    %add3A_21 = arith.constant 80 : i32
    %add3A_22 = arith.addi %mul3A_20, %add3A_21 : i32
    %multiple_of3A_23 = tpu.assume_multiple %add3A_22, 80 : i32
    "tpu.region"() ({
      %run_scoped3A = tpu.sem_alloc : memref<!tpu.dma_semaphore, #tpu.memory_space<semaphore_mem>>
      %dma_start3A = arith.constant 0 : i32
      %dma_start3A_108 = tpu.memref_slice %arg13[%multiple_of3A_23, %dma_start3A] : memref<10240x128xf32, #tpu.memory_space<vmem_shared>> -> memref<80x128xf32, #tpu.memory_space<vmem_shared>>
      %dma_start3A_109 = arith.constant 0 : i32
      %dma_start3A_110 = tpu.memref_slice %arg13[%multiple_of3A_23, %dma_start3A_109] : memref<10240x128xf32, #tpu.memory_space<vmem_shared>> -> memref<80x128xf32, #tpu.memory_space<vmem_shared>>
      tpu.enqueue_dma source(%dma_start3A_110 : memref<80x128xf32, #tpu.memory_space<vmem_shared>>) target(%arg11 : memref<80x128xf32, #tpu.memory_space<vmem>>) target_semaphore(%run_scoped3A : memref<!tpu.dma_semaphore, #tpu.memory_space<semaphore_mem>>)
      %dma_wait3A = arith.constant 0 : i32
      %dma_wait3A_111 = tpu.memref_slice %arg13[%multiple_of3A_23, %dma_wait3A] : memref<10240x128xf32, #tpu.memory_space<vmem_shared>> -> memref<80x128xf32, #tpu.memory_space<vmem_shared>>
      %dma_wait3A_112 = arith.constant 0 : i32
      %dma_wait3A_113 = tpu.memref_slice %arg13[%multiple_of3A_23, %dma_wait3A_112] : memref<10240x128xf32, #tpu.memory_space<vmem_shared>> -> memref<80x128xf32, #tpu.memory_space<vmem_shared>>
      tpu.wait_dma2 semaphore(%run_scoped3A : memref<!tpu.dma_semaphore, #tpu.memory_space<semaphore_mem>>) src(%dma_wait3A_113 : memref<80x128xf32, #tpu.memory_space<vmem_shared>>) dst(%arg11 : memref<80x128xf32, #tpu.memory_space<vmem>>)
      tpu.yield
    }) : () -> ()
    "tpu.region"() ({
      %run_scoped3A = tpu.sem_alloc : memref<!tpu.dma_semaphore, #tpu.memory_space<semaphore_mem>>
      %dma_start3A = arith.constant 0 : i32
      %dma_start3A_108 = tpu.memref_slice %arg7[%arg0, %multiple_of3A_23, %dma_start3A] : memref<2x10240x128xf32, #tpu.memory_space<hbm>> -> memref<1x80x128xf32, #tpu.memory_space<hbm>>
      %dma_start3A_109 = tpu.memref_squeeze %dma_start3A_108 : memref<1x80x128xf32, #tpu.memory_space<hbm>> -> memref<80x128xf32, #tpu.memory_space<hbm>>
      %dma_start3A_110 = arith.constant 0 : i32
      %dma_start3A_111 = tpu.memref_slice %arg7[%arg0, %multiple_of3A_23, %dma_start3A_110] : memref<2x10240x128xf32, #tpu.memory_space<hbm>> -> memref<1x80x128xf32, #tpu.memory_space<hbm>>
      %dma_start3A_112 = tpu.memref_squeeze %dma_start3A_111 : memref<1x80x128xf32, #tpu.memory_space<hbm>> -> memref<80x128xf32, #tpu.memory_space<hbm>>
      tpu.enqueue_dma source(%arg11 : memref<80x128xf32, #tpu.memory_space<vmem>>) target(%dma_start3A_112 : memref<80x128xf32, #tpu.memory_space<hbm>>) target_semaphore(%run_scoped3A : memref<!tpu.dma_semaphore, #tpu.memory_space<semaphore_mem>>)
      %dma_wait3A = arith.constant 0 : i32
      %dma_wait3A_113 = tpu.memref_slice %arg7[%arg0, %multiple_of3A_23, %dma_wait3A] : memref<2x10240x128xf32, #tpu.memory_space<hbm>> -> memref<1x80x128xf32, #tpu.memory_space<hbm>>
      %dma_wait3A_114 = tpu.memref_squeeze %dma_wait3A_113 : memref<1x80x128xf32, #tpu.memory_space<hbm>> -> memref<80x128xf32, #tpu.memory_space<hbm>>
      %dma_wait3A_115 = arith.constant 0 : i32
      %dma_wait3A_116 = tpu.memref_slice %arg7[%arg0, %multiple_of3A_23, %dma_wait3A_115] : memref<2x10240x128xf32, #tpu.memory_space<hbm>> -> memref<1x80x128xf32, #tpu.memory_space<hbm>>
      %dma_wait3A_117 = tpu.memref_squeeze %dma_wait3A_116 : memref<1x80x128xf32, #tpu.memory_space<hbm>> -> memref<80x128xf32, #tpu.memory_space<hbm>>
      tpu.wait_dma2 semaphore(%run_scoped3A : memref<!tpu.dma_semaphore, #tpu.memory_space<semaphore_mem>>) src(%arg11 : memref<80x128xf32, #tpu.memory_space<vmem>>) dst(%dma_wait3A_117 : memref<80x128xf32, #tpu.memory_space<hbm>>)
      tpu.yield
    }) : () -> ()
    %mul3A_24 = arith.constant 640 : i32
    %mul3A_25 = arith.muli %arg1, %mul3A_24 : i32
    %add3A_26 = arith.constant 160 : i32
    %add3A_27 = arith.addi %mul3A_25, %add3A_26 : i32
    %multiple_of3A_28 = tpu.assume_multiple %add3A_27, 80 : i32
    "tpu.region"() ({
      %run_scoped3A = tpu.sem_alloc : memref<!tpu.dma_semaphore, #tpu.memory_space<semaphore_mem>>
      %dma_start3A = arith.constant 0 : i32
      %dma_start3A_108 = tpu.memref_slice %arg13[%multiple_of3A_28, %dma_start3A] : memref<10240x128xf32, #tpu.memory_space<vmem_shared>> -> memref<80x128xf32, #tpu.memory_space<vmem_shared>>
      %dma_start3A_109 = arith.constant 0 : i32
      %dma_start3A_110 = tpu.memref_slice %arg13[%multiple_of3A_28, %dma_start3A_109] : memref<10240x128xf32, #tpu.memory_space<vmem_shared>> -> memref<80x128xf32, #tpu.memory_space<vmem_shared>>
      tpu.enqueue_dma source(%dma_start3A_110 : memref<80x128xf32, #tpu.memory_space<vmem_shared>>) target(%arg11 : memref<80x128xf32, #tpu.memory_space<vmem>>) target_semaphore(%run_scoped3A : memref<!tpu.dma_semaphore, #tpu.memory_space<semaphore_mem>>)
      %dma_wait3A = arith.constant 0 : i32
      %dma_wait3A_111 = tpu.memref_slice %arg13[%multiple_of3A_28, %dma_wait3A] : memref<10240x128xf32, #tpu.memory_space<vmem_shared>> -> memref<80x128xf32, #tpu.memory_space<vmem_shared>>
      %dma_wait3A_112 = arith.constant 0 : i32
      %dma_wait3A_113 = tpu.memref_slice %arg13[%multiple_of3A_28, %dma_wait3A_112] : memref<10240x128xf32, #tpu.memory_space<vmem_shared>> -> memref<80x128xf32, #tpu.memory_space<vmem_shared>>
      tpu.wait_dma2 semaphore(%run_scoped3A : memref<!tpu.dma_semaphore, #tpu.memory_space<semaphore_mem>>) src(%dma_wait3A_113 : memref<80x128xf32, #tpu.memory_space<vmem_shared>>) dst(%arg11 : memref<80x128xf32, #tpu.memory_space<vmem>>)
      tpu.yield
    }) : () -> ()
    "tpu.region"() ({
      %run_scoped3A = tpu.sem_alloc : memref<!tpu.dma_semaphore, #tpu.memory_space<semaphore_mem>>
      %dma_start3A = arith.constant 0 : i32
      %dma_start3A_108 = tpu.memref_slice %arg7[%arg0, %multiple_of3A_28, %dma_start3A] : memref<2x10240x128xf32, #tpu.memory_space<hbm>> -> memref<1x80x128xf32, #tpu.memory_space<hbm>>
      %dma_start3A_109 = tpu.memref_squeeze %dma_start3A_108 : memref<1x80x128xf32, #tpu.memory_space<hbm>> -> memref<80x128xf32, #tpu.memory_space<hbm>>
      %dma_start3A_110 = arith.constant 0 : i32
      %dma_start3A_111 = tpu.memref_slice %arg7[%arg0, %multiple_of3A_28, %dma_start3A_110] : memref<2x10240x128xf32, #tpu.memory_space<hbm>> -> memref<1x80x128xf32, #tpu.memory_space<hbm>>
      %dma_start3A_112 = tpu.memref_squeeze %dma_start3A_111 : memref<1x80x128xf32, #tpu.memory_space<hbm>> -> memref<80x128xf32, #tpu.memory_space<hbm>>
      tpu.enqueue_dma source(%arg11 : memref<80x128xf32, #tpu.memory_space<vmem>>) target(%dma_start3A_112 : memref<80x128xf32, #tpu.memory_space<hbm>>) target_semaphore(%run_scoped3A : memref<!tpu.dma_semaphore, #tpu.memory_space<semaphore_mem>>)
      %dma_wait3A = arith.constant 0 : i32
      %dma_wait3A_113 = tpu.memref_slice %arg7[%arg0, %multiple_of3A_28, %dma_wait3A] : memref<2x10240x128xf32, #tpu.memory_space<hbm>> -> memref<1x80x128xf32, #tpu.memory_space<hbm>>
      %dma_wait3A_114 = tpu.memref_squeeze %dma_wait3A_113 : memref<1x80x128xf32, #tpu.memory_space<hbm>> -> memref<80x128xf32, #tpu.memory_space<hbm>>
      %dma_wait3A_115 = arith.constant 0 : i32
      %dma_wait3A_116 = tpu.memref_slice %arg7[%arg0, %multiple_of3A_28, %dma_wait3A_115] : memref<2x10240x128xf32, #tpu.memory_space<hbm>> -> memref<1x80x128xf32, #tpu.memory_space<hbm>>
      %dma_wait3A_117 = tpu.memref_squeeze %dma_wait3A_116 : memref<1x80x128xf32, #tpu.memory_space<hbm>> -> memref<80x128xf32, #tpu.memory_space<hbm>>
      tpu.wait_dma2 semaphore(%run_scoped3A : memref<!tpu.dma_semaphore, #tpu.memory_space<semaphore_mem>>) src(%arg11 : memref<80x128xf32, #tpu.memory_space<vmem>>) dst(%dma_wait3A_117 : memref<80x128xf32, #tpu.memory_space<hbm>>)
      tpu.yield
    }) : () -> ()
    %mul3A_29 = arith.constant 640 : i32
    %mul3A_30 = arith.muli %arg1, %mul3A_29 : i32
    %add3A_31 = arith.constant 240 : i32
    %add3A_32 = arith.addi %mul3A_30, %add3A_31 : i32
    %multiple_of3A_33 = tpu.assume_multiple %add3A_32, 80 : i32
    "tpu.region"() ({
      %run_scoped3A = tpu.sem_alloc : memref<!tpu.dma_semaphore, #tpu.memory_space<semaphore_mem>>
      %dma_start3A = arith.constant 0 : i32
      %dma_start3A_108 = tpu.memref_slice %arg13[%multiple_of3A_33, %dma_start3A] : memref<10240x128xf32, #tpu.memory_space<vmem_shared>> -> memref<80x128xf32, #tpu.memory_space<vmem_shared>>
      %dma_start3A_109 = arith.constant 0 : i32
      %dma_start3A_110 = tpu.memref_slice %arg13[%multiple_of3A_33, %dma_start3A_109] : memref<10240x128xf32, #tpu.memory_space<vmem_shared>> -> memref<80x128xf32, #tpu.memory_space<vmem_shared>>
      tpu.enqueue_dma source(%dma_start3A_110 : memref<80x128xf32, #tpu.memory_space<vmem_shared>>) target(%arg11 : memref<80x128xf32, #tpu.memory_space<vmem>>) target_semaphore(%run_scoped3A : memref<!tpu.dma_semaphore, #tpu.memory_space<semaphore_mem>>)
      %dma_wait3A = arith.constant 0 : i32
      %dma_wait3A_111 = tpu.memref_slice %arg13[%multiple_of3A_33, %dma_wait3A] : memref<10240x128xf32, #tpu.memory_space<vmem_shared>> -> memref<80x128xf32, #tpu.memory_space<vmem_shared>>
      %dma_wait3A_112 = arith.constant 0 : i32
      %dma_wait3A_113 = tpu.memref_slice %arg13[%multiple_of3A_33, %dma_wait3A_112] : memref<10240x128xf32, #tpu.memory_space<vmem_shared>> -> memref<80x128xf32, #tpu.memory_space<vmem_shared>>
      tpu.wait_dma2 semaphore(%run_scoped3A : memref<!tpu.dma_semaphore, #tpu.memory_space<semaphore_mem>>) src(%dma_wait3A_113 : memref<80x128xf32, #tpu.memory_space<vmem_shared>>) dst(%arg11 : memref<80x128xf32, #tpu.memory_space<vmem>>)
      tpu.yield
    }) : () -> ()
    "tpu.region"() ({
      %run_scoped3A = tpu.sem_alloc : memref<!tpu.dma_semaphore, #tpu.memory_space<semaphore_mem>>
      %dma_start3A = arith.constant 0 : i32
      %dma_start3A_108 = tpu.memref_slice %arg7[%arg0, %multiple_of3A_33, %dma_start3A] : memref<2x10240x128xf32, #tpu.memory_space<hbm>> -> memref<1x80x128xf32, #tpu.memory_space<hbm>>
      %dma_start3A_109 = tpu.memref_squeeze %dma_start3A_108 : memref<1x80x128xf32, #tpu.memory_space<hbm>> -> memref<80x128xf32, #tpu.memory_space<hbm>>
      %dma_start3A_110 = arith.constant 0 : i32
      %dma_start3A_111 = tpu.memref_slice %arg7[%arg0, %multiple_of3A_33, %dma_start3A_110] : memref<2x10240x128xf32, #tpu.memory_space<hbm>> -> memref<1x80x128xf32, #tpu.memory_space<hbm>>
      %dma_start3A_112 = tpu.memref_squeeze %dma_start3A_111 : memref<1x80x128xf32, #tpu.memory_space<hbm>> -> memref<80x128xf32, #tpu.memory_space<hbm>>
      tpu.enqueue_dma source(%arg11 : memref<80x128xf32, #tpu.memory_space<vmem>>) target(%dma_start3A_112 : memref<80x128xf32, #tpu.memory_space<hbm>>) target_semaphore(%run_scoped3A : memref<!tpu.dma_semaphore, #tpu.memory_space<semaphore_mem>>)
      %dma_wait3A = arith.constant 0 : i32
      %dma_wait3A_113 = tpu.memref_slice %arg7[%arg0, %multiple_of3A_33, %dma_wait3A] : memref<2x10240x128xf32, #tpu.memory_space<hbm>> -> memref<1x80x128xf32, #tpu.memory_space<hbm>>
      %dma_wait3A_114 = tpu.memref_squeeze %dma_wait3A_113 : memref<1x80x128xf32, #tpu.memory_space<hbm>> -> memref<80x128xf32, #tpu.memory_space<hbm>>
      %dma_wait3A_115 = arith.constant 0 : i32
      %dma_wait3A_116 = tpu.memref_slice %arg7[%arg0, %multiple_of3A_33, %dma_wait3A_115] : memref<2x10240x128xf32, #tpu.memory_space<hbm>> -> memref<1x80x128xf32, #tpu.memory_space<hbm>>
      %dma_wait3A_117 = tpu.memref_squeeze %dma_wait3A_116 : memref<1x80x128xf32, #tpu.memory_space<hbm>> -> memref<80x128xf32, #tpu.memory_space<hbm>>
      tpu.wait_dma2 semaphore(%run_scoped3A : memref<!tpu.dma_semaphore, #tpu.memory_space<semaphore_mem>>) src(%arg11 : memref<80x128xf32, #tpu.memory_space<vmem>>) dst(%dma_wait3A_117 : memref<80x128xf32, #tpu.memory_space<hbm>>)
      tpu.yield
    }) : () -> ()
    %mul3A_34 = arith.constant 640 : i32
    %mul3A_35 = arith.muli %arg1, %mul3A_34 : i32
    %add3A_36 = arith.constant 320 : i32
    %add3A_37 = arith.addi %mul3A_35, %add3A_36 : i32
    %multiple_of3A_38 = tpu.assume_multiple %add3A_37, 80 : i32
    "tpu.region"() ({
      %run_scoped3A = tpu.sem_alloc : memref<!tpu.dma_semaphore, #tpu.memory_space<semaphore_mem>>
      %dma_start3A = arith.constant 0 : i32
      %dma_start3A_108 = tpu.memref_slice %arg13[%multiple_of3A_38, %dma_start3A] : memref<10240x128xf32, #tpu.memory_space<vmem_shared>> -> memref<80x128xf32, #tpu.memory_space<vmem_shared>>
      %dma_start3A_109 = arith.constant 0 : i32
      %dma_start3A_110 = tpu.memref_slice %arg13[%multiple_of3A_38, %dma_start3A_109] : memref<10240x128xf32, #tpu.memory_space<vmem_shared>> -> memref<80x128xf32, #tpu.memory_space<vmem_shared>>
      tpu.enqueue_dma source(%dma_start3A_110 : memref<80x128xf32, #tpu.memory_space<vmem_shared>>) target(%arg11 : memref<80x128xf32, #tpu.memory_space<vmem>>) target_semaphore(%run_scoped3A : memref<!tpu.dma_semaphore, #tpu.memory_space<semaphore_mem>>)
      %dma_wait3A = arith.constant 0 : i32
      %dma_wait3A_111 = tpu.memref_slice %arg13[%multiple_of3A_38, %dma_wait3A] : memref<10240x128xf32, #tpu.memory_space<vmem_shared>> -> memref<80x128xf32, #tpu.memory_space<vmem_shared>>
      %dma_wait3A_112 = arith.constant 0 : i32
      %dma_wait3A_113 = tpu.memref_slice %arg13[%multiple_of3A_38, %dma_wait3A_112] : memref<10240x128xf32, #tpu.memory_space<vmem_shared>> -> memref<80x128xf32, #tpu.memory_space<vmem_shared>>
      tpu.wait_dma2 semaphore(%run_scoped3A : memref<!tpu.dma_semaphore, #tpu.memory_space<semaphore_mem>>) src(%dma_wait3A_113 : memref<80x128xf32, #tpu.memory_space<vmem_shared>>) dst(%arg11 : memref<80x128xf32, #tpu.memory_space<vmem>>)
      tpu.yield
    }) : () -> ()
    "tpu.region"() ({
      %run_scoped3A = tpu.sem_alloc : memref<!tpu.dma_semaphore, #tpu.memory_space<semaphore_mem>>
      %dma_start3A = arith.constant 0 : i32
      %dma_start3A_108 = tpu.memref_slice %arg7[%arg0, %multiple_of3A_38, %dma_start3A] : memref<2x10240x128xf32, #tpu.memory_space<hbm>> -> memref<1x80x128xf32, #tpu.memory_space<hbm>>
      %dma_start3A_109 = tpu.memref_squeeze %dma_start3A_108 : memref<1x80x128xf32, #tpu.memory_space<hbm>> -> memref<80x128xf32, #tpu.memory_space<hbm>>
      %dma_start3A_110 = arith.constant 0 : i32
      %dma_start3A_111 = tpu.memref_slice %arg7[%arg0, %multiple_of3A_38, %dma_start3A_110] : memref<2x10240x128xf32, #tpu.memory_space<hbm>> -> memref<1x80x128xf32, #tpu.memory_space<hbm>>
      %dma_start3A_112 = tpu.memref_squeeze %dma_start3A_111 : memref<1x80x128xf32, #tpu.memory_space<hbm>> -> memref<80x128xf32, #tpu.memory_space<hbm>>
      tpu.enqueue_dma source(%arg11 : memref<80x128xf32, #tpu.memory_space<vmem>>) target(%dma_start3A_112 : memref<80x128xf32, #tpu.memory_space<hbm>>) target_semaphore(%run_scoped3A : memref<!tpu.dma_semaphore, #tpu.memory_space<semaphore_mem>>)
      %dma_wait3A = arith.constant 0 : i32
      %dma_wait3A_113 = tpu.memref_slice %arg7[%arg0, %multiple_of3A_38, %dma_wait3A] : memref<2x10240x128xf32, #tpu.memory_space<hbm>> -> memref<1x80x128xf32, #tpu.memory_space<hbm>>
      %dma_wait3A_114 = tpu.memref_squeeze %dma_wait3A_113 : memref<1x80x128xf32, #tpu.memory_space<hbm>> -> memref<80x128xf32, #tpu.memory_space<hbm>>
      %dma_wait3A_115 = arith.constant 0 : i32
      %dma_wait3A_116 = tpu.memref_slice %arg7[%arg0, %multiple_of3A_38, %dma_wait3A_115] : memref<2x10240x128xf32, #tpu.memory_space<hbm>> -> memref<1x80x128xf32, #tpu.memory_space<hbm>>
      %dma_wait3A_117 = tpu.memref_squeeze %dma_wait3A_116 : memref<1x80x128xf32, #tpu.memory_space<hbm>> -> memref<80x128xf32, #tpu.memory_space<hbm>>
      tpu.wait_dma2 semaphore(%run_scoped3A : memref<!tpu.dma_semaphore, #tpu.memory_space<semaphore_mem>>) src(%arg11 : memref<80x128xf32, #tpu.memory_space<vmem>>) dst(%dma_wait3A_117 : memref<80x128xf32, #tpu.memory_space<hbm>>)
      tpu.yield
    }) : () -> ()
    %mul3A_39 = arith.constant 640 : i32
    %mul3A_40 = arith.muli %arg1, %mul3A_39 : i32
    %add3A_41 = arith.constant 400 : i32
    %add3A_42 = arith.addi %mul3A_40, %add3A_41 : i32
    %multiple_of3A_43 = tpu.assume_multiple %add3A_42, 80 : i32
    "tpu.region"() ({
      %run_scoped3A = tpu.sem_alloc : memref<!tpu.dma_semaphore, #tpu.memory_space<semaphore_mem>>
      %dma_start3A = arith.constant 0 : i32
      %dma_start3A_108 = tpu.memref_slice %arg13[%multiple_of3A_43, %dma_start3A] : memref<10240x128xf32, #tpu.memory_space<vmem_shared>> -> memref<80x128xf32, #tpu.memory_space<vmem_shared>>
      %dma_start3A_109 = arith.constant 0 : i32
      %dma_start3A_110 = tpu.memref_slice %arg13[%multiple_of3A_43, %dma_start3A_109] : memref<10240x128xf32, #tpu.memory_space<vmem_shared>> -> memref<80x128xf32, #tpu.memory_space<vmem_shared>>
      tpu.enqueue_dma source(%dma_start3A_110 : memref<80x128xf32, #tpu.memory_space<vmem_shared>>) target(%arg11 : memref<80x128xf32, #tpu.memory_space<vmem>>) target_semaphore(%run_scoped3A : memref<!tpu.dma_semaphore, #tpu.memory_space<semaphore_mem>>)
      %dma_wait3A = arith.constant 0 : i32
      %dma_wait3A_111 = tpu.memref_slice %arg13[%multiple_of3A_43, %dma_wait3A] : memref<10240x128xf32, #tpu.memory_space<vmem_shared>> -> memref<80x128xf32, #tpu.memory_space<vmem_shared>>
      %dma_wait3A_112 = arith.constant 0 : i32
      %dma_wait3A_113 = tpu.memref_slice %arg13[%multiple_of3A_43, %dma_wait3A_112] : memref<10240x128xf32, #tpu.memory_space<vmem_shared>> -> memref<80x128xf32, #tpu.memory_space<vmem_shared>>
      tpu.wait_dma2 semaphore(%run_scoped3A : memref<!tpu.dma_semaphore, #tpu.memory_space<semaphore_mem>>) src(%dma_wait3A_113 : memref<80x128xf32, #tpu.memory_space<vmem_shared>>) dst(%arg11 : memref<80x128xf32, #tpu.memory_space<vmem>>)
      tpu.yield
    }) : () -> ()
    "tpu.region"() ({
      %run_scoped3A = tpu.sem_alloc : memref<!tpu.dma_semaphore, #tpu.memory_space<semaphore_mem>>
      %dma_start3A = arith.constant 0 : i32
      %dma_start3A_108 = tpu.memref_slice %arg7[%arg0, %multiple_of3A_43, %dma_start3A] : memref<2x10240x128xf32, #tpu.memory_space<hbm>> -> memref<1x80x128xf32, #tpu.memory_space<hbm>>
      %dma_start3A_109 = tpu.memref_squeeze %dma_start3A_108 : memref<1x80x128xf32, #tpu.memory_space<hbm>> -> memref<80x128xf32, #tpu.memory_space<hbm>>
      %dma_start3A_110 = arith.constant 0 : i32
      %dma_start3A_111 = tpu.memref_slice %arg7[%arg0, %multiple_of3A_43, %dma_start3A_110] : memref<2x10240x128xf32, #tpu.memory_space<hbm>> -> memref<1x80x128xf32, #tpu.memory_space<hbm>>
      %dma_start3A_112 = tpu.memref_squeeze %dma_start3A_111 : memref<1x80x128xf32, #tpu.memory_space<hbm>> -> memref<80x128xf32, #tpu.memory_space<hbm>>
      tpu.enqueue_dma source(%arg11 : memref<80x128xf32, #tpu.memory_space<vmem>>) target(%dma_start3A_112 : memref<80x128xf32, #tpu.memory_space<hbm>>) target_semaphore(%run_scoped3A : memref<!tpu.dma_semaphore, #tpu.memory_space<semaphore_mem>>)
      %dma_wait3A = arith.constant 0 : i32
      %dma_wait3A_113 = tpu.memref_slice %arg7[%arg0, %multiple_of3A_43, %dma_wait3A] : memref<2x10240x128xf32, #tpu.memory_space<hbm>> -> memref<1x80x128xf32, #tpu.memory_space<hbm>>
      %dma_wait3A_114 = tpu.memref_squeeze %dma_wait3A_113 : memref<1x80x128xf32, #tpu.memory_space<hbm>> -> memref<80x128xf32, #tpu.memory_space<hbm>>
      %dma_wait3A_115 = arith.constant 0 : i32
      %dma_wait3A_116 = tpu.memref_slice %arg7[%arg0, %multiple_of3A_43, %dma_wait3A_115] : memref<2x10240x128xf32, #tpu.memory_space<hbm>> -> memref<1x80x128xf32, #tpu.memory_space<hbm>>
      %dma_wait3A_117 = tpu.memref_squeeze %dma_wait3A_116 : memref<1x80x128xf32, #tpu.memory_space<hbm>> -> memref<80x128xf32, #tpu.memory_space<hbm>>
      tpu.wait_dma2 semaphore(%run_scoped3A : memref<!tpu.dma_semaphore, #tpu.memory_space<semaphore_mem>>) src(%arg11 : memref<80x128xf32, #tpu.memory_space<vmem>>) dst(%dma_wait3A_117 : memref<80x128xf32, #tpu.memory_space<hbm>>)
      tpu.yield
    }) : () -> ()
    %mul3A_44 = arith.constant 640 : i32
    %mul3A_45 = arith.muli %arg1, %mul3A_44 : i32
    %add3A_46 = arith.constant 480 : i32
    %add3A_47 = arith.addi %mul3A_45, %add3A_46 : i32
    %multiple_of3A_48 = tpu.assume_multiple %add3A_47, 80 : i32
    "tpu.region"() ({
      %run_scoped3A = tpu.sem_alloc : memref<!tpu.dma_semaphore, #tpu.memory_space<semaphore_mem>>
      %dma_start3A = arith.constant 0 : i32
      %dma_start3A_108 = tpu.memref_slice %arg13[%multiple_of3A_48, %dma_start3A] : memref<10240x128xf32, #tpu.memory_space<vmem_shared>> -> memref<80x128xf32, #tpu.memory_space<vmem_shared>>
      %dma_start3A_109 = arith.constant 0 : i32
      %dma_start3A_110 = tpu.memref_slice %arg13[%multiple_of3A_48, %dma_start3A_109] : memref<10240x128xf32, #tpu.memory_space<vmem_shared>> -> memref<80x128xf32, #tpu.memory_space<vmem_shared>>
      tpu.enqueue_dma source(%dma_start3A_110 : memref<80x128xf32, #tpu.memory_space<vmem_shared>>) target(%arg11 : memref<80x128xf32, #tpu.memory_space<vmem>>) target_semaphore(%run_scoped3A : memref<!tpu.dma_semaphore, #tpu.memory_space<semaphore_mem>>)
      %dma_wait3A = arith.constant 0 : i32
      %dma_wait3A_111 = tpu.memref_slice %arg13[%multiple_of3A_48, %dma_wait3A] : memref<10240x128xf32, #tpu.memory_space<vmem_shared>> -> memref<80x128xf32, #tpu.memory_space<vmem_shared>>
      %dma_wait3A_112 = arith.constant 0 : i32
      %dma_wait3A_113 = tpu.memref_slice %arg13[%multiple_of3A_48, %dma_wait3A_112] : memref<10240x128xf32, #tpu.memory_space<vmem_shared>> -> memref<80x128xf32, #tpu.memory_space<vmem_shared>>
      tpu.wait_dma2 semaphore(%run_scoped3A : memref<!tpu.dma_semaphore, #tpu.memory_space<semaphore_mem>>) src(%dma_wait3A_113 : memref<80x128xf32, #tpu.memory_space<vmem_shared>>) dst(%arg11 : memref<80x128xf32, #tpu.memory_space<vmem>>)
      tpu.yield
    }) : () -> ()
    "tpu.region"() ({
      %run_scoped3A = tpu.sem_alloc : memref<!tpu.dma_semaphore, #tpu.memory_space<semaphore_mem>>
      %dma_start3A = arith.constant 0 : i32
      %dma_start3A_108 = tpu.memref_slice %arg7[%arg0, %multiple_of3A_48, %dma_start3A] : memref<2x10240x128xf32, #tpu.memory_space<hbm>> -> memref<1x80x128xf32, #tpu.memory_space<hbm>>
      %dma_start3A_109 = tpu.memref_squeeze %dma_start3A_108 : memref<1x80x128xf32, #tpu.memory_space<hbm>> -> memref<80x128xf32, #tpu.memory_space<hbm>>
      %dma_start3A_110 = arith.constant 0 : i32
      %dma_start3A_111 = tpu.memref_slice %arg7[%arg0, %multiple_of3A_48, %dma_start3A_110] : memref<2x10240x128xf32, #tpu.memory_space<hbm>> -> memref<1x80x128xf32, #tpu.memory_space<hbm>>
      %dma_start3A_112 = tpu.memref_squeeze %dma_start3A_111 : memref<1x80x128xf32, #tpu.memory_space<hbm>> -> memref<80x128xf32, #tpu.memory_space<hbm>>
      tpu.enqueue_dma source(%arg11 : memref<80x128xf32, #tpu.memory_space<vmem>>) target(%dma_start3A_112 : memref<80x128xf32, #tpu.memory_space<hbm>>) target_semaphore(%run_scoped3A : memref<!tpu.dma_semaphore, #tpu.memory_space<semaphore_mem>>)
      %dma_wait3A = arith.constant 0 : i32
      %dma_wait3A_113 = tpu.memref_slice %arg7[%arg0, %multiple_of3A_48, %dma_wait3A] : memref<2x10240x128xf32, #tpu.memory_space<hbm>> -> memref<1x80x128xf32, #tpu.memory_space<hbm>>
      %dma_wait3A_114 = tpu.memref_squeeze %dma_wait3A_113 : memref<1x80x128xf32, #tpu.memory_space<hbm>> -> memref<80x128xf32, #tpu.memory_space<hbm>>
      %dma_wait3A_115 = arith.constant 0 : i32
      %dma_wait3A_116 = tpu.memref_slice %arg7[%arg0, %multiple_of3A_48, %dma_wait3A_115] : memref<2x10240x128xf32, #tpu.memory_space<hbm>> -> memref<1x80x128xf32, #tpu.memory_space<hbm>>
      %dma_wait3A_117 = tpu.memref_squeeze %dma_wait3A_116 : memref<1x80x128xf32, #tpu.memory_space<hbm>> -> memref<80x128xf32, #tpu.memory_space<hbm>>
      tpu.wait_dma2 semaphore(%run_scoped3A : memref<!tpu.dma_semaphore, #tpu.memory_space<semaphore_mem>>) src(%arg11 : memref<80x128xf32, #tpu.memory_space<vmem>>) dst(%dma_wait3A_117 : memref<80x128xf32, #tpu.memory_space<hbm>>)
      tpu.yield
    }) : () -> ()
    %mul3A_49 = arith.constant 640 : i32
    %mul3A_50 = arith.muli %arg1, %mul3A_49 : i32
    %add3A_51 = arith.constant 560 : i32
    %add3A_52 = arith.addi %mul3A_50, %add3A_51 : i32
    %multiple_of3A_53 = tpu.assume_multiple %add3A_52, 80 : i32
    "tpu.region"() ({
      %run_scoped3A = tpu.sem_alloc : memref<!tpu.dma_semaphore, #tpu.memory_space<semaphore_mem>>
      %dma_start3A = arith.constant 0 : i32
      %dma_start3A_108 = tpu.memref_slice %arg13[%multiple_of3A_53, %dma_start3A] : memref<10240x128xf32, #tpu.memory_space<vmem_shared>> -> memref<80x128xf32, #tpu.memory_space<vmem_shared>>
      %dma_start3A_109 = arith.constant 0 : i32
      %dma_start3A_110 = tpu.memref_slice %arg13[%multiple_of3A_53, %dma_start3A_109] : memref<10240x128xf32, #tpu.memory_space<vmem_shared>> -> memref<80x128xf32, #tpu.memory_space<vmem_shared>>
      tpu.enqueue_dma source(%dma_start3A_110 : memref<80x128xf32, #tpu.memory_space<vmem_shared>>) target(%arg11 : memref<80x128xf32, #tpu.memory_space<vmem>>) target_semaphore(%run_scoped3A : memref<!tpu.dma_semaphore, #tpu.memory_space<semaphore_mem>>)
      %dma_wait3A = arith.constant 0 : i32
      %dma_wait3A_111 = tpu.memref_slice %arg13[%multiple_of3A_53, %dma_wait3A] : memref<10240x128xf32, #tpu.memory_space<vmem_shared>> -> memref<80x128xf32, #tpu.memory_space<vmem_shared>>
      %dma_wait3A_112 = arith.constant 0 : i32
      %dma_wait3A_113 = tpu.memref_slice %arg13[%multiple_of3A_53, %dma_wait3A_112] : memref<10240x128xf32, #tpu.memory_space<vmem_shared>> -> memref<80x128xf32, #tpu.memory_space<vmem_shared>>
      tpu.wait_dma2 semaphore(%run_scoped3A : memref<!tpu.dma_semaphore, #tpu.memory_space<semaphore_mem>>) src(%dma_wait3A_113 : memref<80x128xf32, #tpu.memory_space<vmem_shared>>) dst(%arg11 : memref<80x128xf32, #tpu.memory_space<vmem>>)
      tpu.yield
    }) : () -> ()
    "tpu.region"() ({
      %run_scoped3A = tpu.sem_alloc : memref<!tpu.dma_semaphore, #tpu.memory_space<semaphore_mem>>
      %dma_start3A = arith.constant 0 : i32
      %dma_start3A_108 = tpu.memref_slice %arg7[%arg0, %multiple_of3A_53, %dma_start3A] : memref<2x10240x128xf32, #tpu.memory_space<hbm>> -> memref<1x80x128xf32, #tpu.memory_space<hbm>>
      %dma_start3A_109 = tpu.memref_squeeze %dma_start3A_108 : memref<1x80x128xf32, #tpu.memory_space<hbm>> -> memref<80x128xf32, #tpu.memory_space<hbm>>
      %dma_start3A_110 = arith.constant 0 : i32
      %dma_start3A_111 = tpu.memref_slice %arg7[%arg0, %multiple_of3A_53, %dma_start3A_110] : memref<2x10240x128xf32, #tpu.memory_space<hbm>> -> memref<1x80x128xf32, #tpu.memory_space<hbm>>
      %dma_start3A_112 = tpu.memref_squeeze %dma_start3A_111 : memref<1x80x128xf32, #tpu.memory_space<hbm>> -> memref<80x128xf32, #tpu.memory_space<hbm>>
      tpu.enqueue_dma source(%arg11 : memref<80x128xf32, #tpu.memory_space<vmem>>) target(%dma_start3A_112 : memref<80x128xf32, #tpu.memory_space<hbm>>) target_semaphore(%run_scoped3A : memref<!tpu.dma_semaphore, #tpu.memory_space<semaphore_mem>>)
      %dma_wait3A = arith.constant 0 : i32
      %dma_wait3A_113 = tpu.memref_slice %arg7[%arg0, %multiple_of3A_53, %dma_wait3A] : memref<2x10240x128xf32, #tpu.memory_space<hbm>> -> memref<1x80x128xf32, #tpu.memory_space<hbm>>
      %dma_wait3A_114 = tpu.memref_squeeze %dma_wait3A_113 : memref<1x80x128xf32, #tpu.memory_space<hbm>> -> memref<80x128xf32, #tpu.memory_space<hbm>>
      %dma_wait3A_115 = arith.constant 0 : i32
      %dma_wait3A_116 = tpu.memref_slice %arg7[%arg0, %multiple_of3A_53, %dma_wait3A_115] : memref<2x10240x128xf32, #tpu.memory_space<hbm>> -> memref<1x80x128xf32, #tpu.memory_space<hbm>>
      %dma_wait3A_117 = tpu.memref_squeeze %dma_wait3A_116 : memref<1x80x128xf32, #tpu.memory_space<hbm>> -> memref<80x128xf32, #tpu.memory_space<hbm>>
      tpu.wait_dma2 semaphore(%run_scoped3A : memref<!tpu.dma_semaphore, #tpu.memory_space<semaphore_mem>>) src(%arg11 : memref<80x128xf32, #tpu.memory_space<vmem>>) dst(%dma_wait3A_117 : memref<80x128xf32, #tpu.memory_space<hbm>>)
      tpu.yield
    }) : () -> ()
    "tpu.region"() ({
      %run_scoped3A = tpu.sem_alloc : memref<!tpu.dma_semaphore, #tpu.memory_space<semaphore_mem>>
      tpu.enqueue_dma source(%arg5 : memref<80x128xf32, #tpu.memory_space<hbm>>) target(%arg11 : memref<80x128xf32, #tpu.memory_space<vmem>>) target_semaphore(%run_scoped3A : memref<!tpu.dma_semaphore, #tpu.memory_space<semaphore_mem>>)
      tpu.wait_dma2 semaphore(%run_scoped3A : memref<!tpu.dma_semaphore, #tpu.memory_space<semaphore_mem>>) src(%arg5 : memref<80x128xf32, #tpu.memory_space<hbm>>) dst(%arg11 : memref<80x128xf32, #tpu.memory_space<vmem>>)
      tpu.yield
    }) : () -> ()
    %scan3A_54 = arith.constant 0 : i32
    %scan3A_55 = arith.constant 0 : i32
    %scan3A_56 = arith.constant 8 : i32
    %scan3A_57 = arith.addi %scan3A_55, %scan3A_56 : i32
    %scan3A_58 = arith.constant 1 : i32
    scf.for %scan3A_108 = %scan3A_55 to %scan3A_57 step %scan3A_58  : i32 {
      %mul3A_109 = arith.constant 640 : i32
      %mul3A_110 = arith.muli %arg1, %mul3A_109 : i32
      %mul3A_111 = arith.constant 80 : i32
      %mul3A_112 = arith.muli %scan3A_108, %mul3A_111 : i32
      %add3A_113 = arith.addi %mul3A_110, %mul3A_112 : i32
      %multiple_of3A_114 = tpu.assume_multiple %add3A_113, 80 : i32
      "tpu.region"() ({
        %run_scoped3A = tpu.sem_alloc : memref<!tpu.dma_semaphore, #tpu.memory_space<semaphore_mem>>
        %dma_start3A = arith.constant 0 : i32
        %dma_start3A_115 = tpu.memref_slice %arg13[%multiple_of3A_114, %dma_start3A] : memref<10240x128xf32, #tpu.memory_space<vmem_shared>> -> memref<80x128xf32, #tpu.memory_space<vmem_shared>>
        %dma_start3A_116 = arith.constant 0 : i32
        %dma_start3A_117 = tpu.memref_slice %arg13[%multiple_of3A_114, %dma_start3A_116] : memref<10240x128xf32, #tpu.memory_space<vmem_shared>> -> memref<80x128xf32, #tpu.memory_space<vmem_shared>>
        tpu.enqueue_dma source(%arg11 : memref<80x128xf32, #tpu.memory_space<vmem>>) target(%dma_start3A_117 : memref<80x128xf32, #tpu.memory_space<vmem_shared>>) target_semaphore(%run_scoped3A : memref<!tpu.dma_semaphore, #tpu.memory_space<semaphore_mem>>)
        %dma_wait3A = arith.constant 0 : i32
        %dma_wait3A_118 = tpu.memref_slice %arg13[%multiple_of3A_114, %dma_wait3A] : memref<10240x128xf32, #tpu.memory_space<vmem_shared>> -> memref<80x128xf32, #tpu.memory_space<vmem_shared>>
        %dma_wait3A_119 = arith.constant 0 : i32
        %dma_wait3A_120 = tpu.memref_slice %arg13[%multiple_of3A_114, %dma_wait3A_119] : memref<10240x128xf32, #tpu.memory_space<vmem_shared>> -> memref<80x128xf32, #tpu.memory_space<vmem_shared>>
        tpu.wait_dma2 semaphore(%run_scoped3A : memref<!tpu.dma_semaphore, #tpu.memory_space<semaphore_mem>>) src(%arg11 : memref<80x128xf32, #tpu.memory_space<vmem>>) dst(%dma_wait3A_120 : memref<80x128xf32, #tpu.memory_space<vmem_shared>>)
        tpu.yield
      }) : () -> ()
    }
    %scan3A_59 = arith.constant 8 : i32
    %barrier3A_60 = arith.constant 0 : index
    tpu.barrier barrier_id(%barrier3A_60)
    %scan3A_61 = arith.constant 0 : i32
    %scan3A_62 = arith.constant 0 : i32
    %scan3A_63 = arith.constant 128 : i32
    %scan3A_64 = arith.addi %scan3A_62, %scan3A_63 : i32
    %scan3A_65 = arith.constant 1 : i32
    scf.for %scan3A_108 = %scan3A_62 to %scan3A_64 step %scan3A_65  : i32 {
      %mul3A_109 = arith.constant 80 : i32
      %mul3A_110 = arith.muli %scan3A_108, %mul3A_109 : i32
      %add3A_111 = arith.addi %mul3A_7, %mul3A_110 : i32
      %multiple_of3A_112 = tpu.assume_multiple %add3A_111, 80 : i32
      "tpu.region"() ({
        %run_scoped3A = tpu.sem_alloc : memref<!tpu.dma_semaphore, #tpu.memory_space<semaphore_mem>>
        %dma_start3A = tpu.memref_slice %arg4[%multiple_of3A_112] : memref<327680xi32, #tpu.memory_space<hbm>> -> memref<80xi32, #tpu.memory_space<hbm>>
        %dma_start3A_113 = tpu.memref_slice %arg4[%multiple_of3A_112] : memref<327680xi32, #tpu.memory_space<hbm>> -> memref<80xi32, #tpu.memory_space<hbm>>
        tpu.enqueue_dma source(%dma_start3A_113 : memref<80xi32, #tpu.memory_space<hbm>>) target(%arg10 : memref<80xi32, #tpu.memory_space<vmem>>) target_semaphore(%run_scoped3A : memref<!tpu.dma_semaphore, #tpu.memory_space<semaphore_mem>>)
        %dma_wait3A = tpu.memref_slice %arg4[%multiple_of3A_112] : memref<327680xi32, #tpu.memory_space<hbm>> -> memref<80xi32, #tpu.memory_space<hbm>>
        %dma_wait3A_114 = tpu.memref_slice %arg4[%multiple_of3A_112] : memref<327680xi32, #tpu.memory_space<hbm>> -> memref<80xi32, #tpu.memory_space<hbm>>
        tpu.wait_dma2 semaphore(%run_scoped3A : memref<!tpu.dma_semaphore, #tpu.memory_space<semaphore_mem>>) src(%dma_wait3A_114 : memref<80xi32, #tpu.memory_space<hbm>>) dst(%arg10 : memref<80xi32, #tpu.memory_space<vmem>>)
        tpu.yield
      }) : () -> ()
      "tpu.region"() ({
        %run_scoped3A = tpu.sem_alloc : memref<!tpu.dma_semaphore, #tpu.memory_space<semaphore_mem>>
        %dma_start3A = arith.constant 0 : i32
        %dma_start3A_113 = arith.constant 0 : i32
        %dma_start3A_114 = tpu.memref_slice %arg13[%dma_start3A, %dma_start3A_113] : memref<10240x128xf32, #tpu.memory_space<vmem_shared>> -> memref<10240x128xf32, #tpu.memory_space<vmem_shared>>
        tpu.enqueue_indirect_dma source(%arg12 : memref<80x128xf32, #tpu.memory_space<vmem>>) target(%dma_start3A_114 : memref<10240x128xf32, #tpu.memory_space<vmem_shared>>) offsets(%arg10 : memref<80xi32, #tpu.memory_space<vmem>>) semaphore(%run_scoped3A : memref<!tpu.dma_semaphore, #tpu.memory_space<semaphore_mem>>) {add = true}
        %dma_wait3A = arith.constant 0 : i32
        %dma_wait3A_115 = arith.constant 0 : i32
        %dma_wait3A_116 = tpu.memref_slice %arg13[%dma_wait3A, %dma_wait3A_115] : memref<10240x128xf32, #tpu.memory_space<vmem_shared>> -> memref<10240x128xf32, #tpu.memory_space<vmem_shared>>
        tpu.wait_indirect_dma semaphore(%run_scoped3A : memref<!tpu.dma_semaphore, #tpu.memory_space<semaphore_mem>>) src(%arg12 : memref<80x128xf32, #tpu.memory_space<vmem>>) dst(%dma_wait3A_116 : memref<10240x128xf32, #tpu.memory_space<vmem_shared>>)
        tpu.yield
      }) : () -> ()
    }
    %scan3A_66 = arith.constant 128 : i32
    %barrier3A_67 = arith.constant 0 : index
    tpu.barrier barrier_id(%barrier3A_67)
    %mul3A_68 = arith.constant 640 : i32
    %mul3A_69 = arith.muli %arg1, %mul3A_68 : i32
    %add3A_70 = arith.constant 0 : i32
    %add3A_71 = arith.addi %mul3A_69, %add3A_70 : i32
    %multiple_of3A_72 = tpu.assume_multiple %add3A_71, 80 : i32
    "tpu.region"() ({
      %run_scoped3A = tpu.sem_alloc : memref<!tpu.dma_semaphore, #tpu.memory_space<semaphore_mem>>
      %dma_start3A = arith.constant 0 : i32
      %dma_start3A_108 = tpu.memref_slice %arg13[%multiple_of3A_72, %dma_start3A] : memref<10240x128xf32, #tpu.memory_space<vmem_shared>> -> memref<80x128xf32, #tpu.memory_space<vmem_shared>>
      %dma_start3A_109 = arith.constant 0 : i32
      %dma_start3A_110 = tpu.memref_slice %arg13[%multiple_of3A_72, %dma_start3A_109] : memref<10240x128xf32, #tpu.memory_space<vmem_shared>> -> memref<80x128xf32, #tpu.memory_space<vmem_shared>>
      tpu.enqueue_dma source(%dma_start3A_110 : memref<80x128xf32, #tpu.memory_space<vmem_shared>>) target(%arg11 : memref<80x128xf32, #tpu.memory_space<vmem>>) target_semaphore(%run_scoped3A : memref<!tpu.dma_semaphore, #tpu.memory_space<semaphore_mem>>)
      %dma_wait3A = arith.constant 0 : i32
      %dma_wait3A_111 = tpu.memref_slice %arg13[%multiple_of3A_72, %dma_wait3A] : memref<10240x128xf32, #tpu.memory_space<vmem_shared>> -> memref<80x128xf32, #tpu.memory_space<vmem_shared>>
      %dma_wait3A_112 = arith.constant 0 : i32
      %dma_wait3A_113 = tpu.memref_slice %arg13[%multiple_of3A_72, %dma_wait3A_112] : memref<10240x128xf32, #tpu.memory_space<vmem_shared>> -> memref<80x128xf32, #tpu.memory_space<vmem_shared>>
      tpu.wait_dma2 semaphore(%run_scoped3A : memref<!tpu.dma_semaphore, #tpu.memory_space<semaphore_mem>>) src(%dma_wait3A_113 : memref<80x128xf32, #tpu.memory_space<vmem_shared>>) dst(%arg11 : memref<80x128xf32, #tpu.memory_space<vmem>>)
      tpu.yield
    }) : () -> ()
    "tpu.region"() ({
      %run_scoped3A = tpu.sem_alloc : memref<!tpu.dma_semaphore, #tpu.memory_space<semaphore_mem>>
      %dma_start3A = arith.constant 0 : i32
      %dma_start3A_108 = tpu.memref_slice %arg8[%arg0, %multiple_of3A_72, %dma_start3A] : memref<2x10240x128xf32, #tpu.memory_space<hbm>> -> memref<1x80x128xf32, #tpu.memory_space<hbm>>
      %dma_start3A_109 = tpu.memref_squeeze %dma_start3A_108 : memref<1x80x128xf32, #tpu.memory_space<hbm>> -> memref<80x128xf32, #tpu.memory_space<hbm>>
      %dma_start3A_110 = arith.constant 0 : i32
      %dma_start3A_111 = tpu.memref_slice %arg8[%arg0, %multiple_of3A_72, %dma_start3A_110] : memref<2x10240x128xf32, #tpu.memory_space<hbm>> -> memref<1x80x128xf32, #tpu.memory_space<hbm>>
      %dma_start3A_112 = tpu.memref_squeeze %dma_start3A_111 : memref<1x80x128xf32, #tpu.memory_space<hbm>> -> memref<80x128xf32, #tpu.memory_space<hbm>>
      tpu.enqueue_dma source(%arg11 : memref<80x128xf32, #tpu.memory_space<vmem>>) target(%dma_start3A_112 : memref<80x128xf32, #tpu.memory_space<hbm>>) target_semaphore(%run_scoped3A : memref<!tpu.dma_semaphore, #tpu.memory_space<semaphore_mem>>)
      %dma_wait3A = arith.constant 0 : i32
      %dma_wait3A_113 = tpu.memref_slice %arg8[%arg0, %multiple_of3A_72, %dma_wait3A] : memref<2x10240x128xf32, #tpu.memory_space<hbm>> -> memref<1x80x128xf32, #tpu.memory_space<hbm>>
      %dma_wait3A_114 = tpu.memref_squeeze %dma_wait3A_113 : memref<1x80x128xf32, #tpu.memory_space<hbm>> -> memref<80x128xf32, #tpu.memory_space<hbm>>
      %dma_wait3A_115 = arith.constant 0 : i32
      %dma_wait3A_116 = tpu.memref_slice %arg8[%arg0, %multiple_of3A_72, %dma_wait3A_115] : memref<2x10240x128xf32, #tpu.memory_space<hbm>> -> memref<1x80x128xf32, #tpu.memory_space<hbm>>
      %dma_wait3A_117 = tpu.memref_squeeze %dma_wait3A_116 : memref<1x80x128xf32, #tpu.memory_space<hbm>> -> memref<80x128xf32, #tpu.memory_space<hbm>>
      tpu.wait_dma2 semaphore(%run_scoped3A : memref<!tpu.dma_semaphore, #tpu.memory_space<semaphore_mem>>) src(%arg11 : memref<80x128xf32, #tpu.memory_space<vmem>>) dst(%dma_wait3A_117 : memref<80x128xf32, #tpu.memory_space<hbm>>)
      tpu.yield
    }) : () -> ()
    %mul3A_73 = arith.constant 640 : i32
    %mul3A_74 = arith.muli %arg1, %mul3A_73 : i32
    %add3A_75 = arith.constant 80 : i32
    %add3A_76 = arith.addi %mul3A_74, %add3A_75 : i32
    %multiple_of3A_77 = tpu.assume_multiple %add3A_76, 80 : i32
    "tpu.region"() ({
      %run_scoped3A = tpu.sem_alloc : memref<!tpu.dma_semaphore, #tpu.memory_space<semaphore_mem>>
      %dma_start3A = arith.constant 0 : i32
      %dma_start3A_108 = tpu.memref_slice %arg13[%multiple_of3A_77, %dma_start3A] : memref<10240x128xf32, #tpu.memory_space<vmem_shared>> -> memref<80x128xf32, #tpu.memory_space<vmem_shared>>
      %dma_start3A_109 = arith.constant 0 : i32
      %dma_start3A_110 = tpu.memref_slice %arg13[%multiple_of3A_77, %dma_start3A_109] : memref<10240x128xf32, #tpu.memory_space<vmem_shared>> -> memref<80x128xf32, #tpu.memory_space<vmem_shared>>
      tpu.enqueue_dma source(%dma_start3A_110 : memref<80x128xf32, #tpu.memory_space<vmem_shared>>) target(%arg11 : memref<80x128xf32, #tpu.memory_space<vmem>>) target_semaphore(%run_scoped3A : memref<!tpu.dma_semaphore, #tpu.memory_space<semaphore_mem>>)
      %dma_wait3A = arith.constant 0 : i32
      %dma_wait3A_111 = tpu.memref_slice %arg13[%multiple_of3A_77, %dma_wait3A] : memref<10240x128xf32, #tpu.memory_space<vmem_shared>> -> memref<80x128xf32, #tpu.memory_space<vmem_shared>>
      %dma_wait3A_112 = arith.constant 0 : i32
      %dma_wait3A_113 = tpu.memref_slice %arg13[%multiple_of3A_77, %dma_wait3A_112] : memref<10240x128xf32, #tpu.memory_space<vmem_shared>> -> memref<80x128xf32, #tpu.memory_space<vmem_shared>>
      tpu.wait_dma2 semaphore(%run_scoped3A : memref<!tpu.dma_semaphore, #tpu.memory_space<semaphore_mem>>) src(%dma_wait3A_113 : memref<80x128xf32, #tpu.memory_space<vmem_shared>>) dst(%arg11 : memref<80x128xf32, #tpu.memory_space<vmem>>)
      tpu.yield
    }) : () -> ()
    "tpu.region"() ({
      %run_scoped3A = tpu.sem_alloc : memref<!tpu.dma_semaphore, #tpu.memory_space<semaphore_mem>>
      %dma_start3A = arith.constant 0 : i32
      %dma_start3A_108 = tpu.memref_slice %arg8[%arg0, %multiple_of3A_77, %dma_start3A] : memref<2x10240x128xf32, #tpu.memory_space<hbm>> -> memref<1x80x128xf32, #tpu.memory_space<hbm>>
      %dma_start3A_109 = tpu.memref_squeeze %dma_start3A_108 : memref<1x80x128xf32, #tpu.memory_space<hbm>> -> memref<80x128xf32, #tpu.memory_space<hbm>>
      %dma_start3A_110 = arith.constant 0 : i32
      %dma_start3A_111 = tpu.memref_slice %arg8[%arg0, %multiple_of3A_77, %dma_start3A_110] : memref<2x10240x128xf32, #tpu.memory_space<hbm>> -> memref<1x80x128xf32, #tpu.memory_space<hbm>>
      %dma_start3A_112 = tpu.memref_squeeze %dma_start3A_111 : memref<1x80x128xf32, #tpu.memory_space<hbm>> -> memref<80x128xf32, #tpu.memory_space<hbm>>
      tpu.enqueue_dma source(%arg11 : memref<80x128xf32, #tpu.memory_space<vmem>>) target(%dma_start3A_112 : memref<80x128xf32, #tpu.memory_space<hbm>>) target_semaphore(%run_scoped3A : memref<!tpu.dma_semaphore, #tpu.memory_space<semaphore_mem>>)
      %dma_wait3A = arith.constant 0 : i32
      %dma_wait3A_113 = tpu.memref_slice %arg8[%arg0, %multiple_of3A_77, %dma_wait3A] : memref<2x10240x128xf32, #tpu.memory_space<hbm>> -> memref<1x80x128xf32, #tpu.memory_space<hbm>>
      %dma_wait3A_114 = tpu.memref_squeeze %dma_wait3A_113 : memref<1x80x128xf32, #tpu.memory_space<hbm>> -> memref<80x128xf32, #tpu.memory_space<hbm>>
      %dma_wait3A_115 = arith.constant 0 : i32
      %dma_wait3A_116 = tpu.memref_slice %arg8[%arg0, %multiple_of3A_77, %dma_wait3A_115] : memref<2x10240x128xf32, #tpu.memory_space<hbm>> -> memref<1x80x128xf32, #tpu.memory_space<hbm>>
      %dma_wait3A_117 = tpu.memref_squeeze %dma_wait3A_116 : memref<1x80x128xf32, #tpu.memory_space<hbm>> -> memref<80x128xf32, #tpu.memory_space<hbm>>
      tpu.wait_dma2 semaphore(%run_scoped3A : memref<!tpu.dma_semaphore, #tpu.memory_space<semaphore_mem>>) src(%arg11 : memref<80x128xf32, #tpu.memory_space<vmem>>) dst(%dma_wait3A_117 : memref<80x128xf32, #tpu.memory_space<hbm>>)
      tpu.yield
    }) : () -> ()
    %mul3A_78 = arith.constant 640 : i32
    %mul3A_79 = arith.muli %arg1, %mul3A_78 : i32
    %add3A_80 = arith.constant 160 : i32
    %add3A_81 = arith.addi %mul3A_79, %add3A_80 : i32
    %multiple_of3A_82 = tpu.assume_multiple %add3A_81, 80 : i32
    "tpu.region"() ({
      %run_scoped3A = tpu.sem_alloc : memref<!tpu.dma_semaphore, #tpu.memory_space<semaphore_mem>>
      %dma_start3A = arith.constant 0 : i32
      %dma_start3A_108 = tpu.memref_slice %arg13[%multiple_of3A_82, %dma_start3A] : memref<10240x128xf32, #tpu.memory_space<vmem_shared>> -> memref<80x128xf32, #tpu.memory_space<vmem_shared>>
      %dma_start3A_109 = arith.constant 0 : i32
      %dma_start3A_110 = tpu.memref_slice %arg13[%multiple_of3A_82, %dma_start3A_109] : memref<10240x128xf32, #tpu.memory_space<vmem_shared>> -> memref<80x128xf32, #tpu.memory_space<vmem_shared>>
      tpu.enqueue_dma source(%dma_start3A_110 : memref<80x128xf32, #tpu.memory_space<vmem_shared>>) target(%arg11 : memref<80x128xf32, #tpu.memory_space<vmem>>) target_semaphore(%run_scoped3A : memref<!tpu.dma_semaphore, #tpu.memory_space<semaphore_mem>>)
      %dma_wait3A = arith.constant 0 : i32
      %dma_wait3A_111 = tpu.memref_slice %arg13[%multiple_of3A_82, %dma_wait3A] : memref<10240x128xf32, #tpu.memory_space<vmem_shared>> -> memref<80x128xf32, #tpu.memory_space<vmem_shared>>
      %dma_wait3A_112 = arith.constant 0 : i32
      %dma_wait3A_113 = tpu.memref_slice %arg13[%multiple_of3A_82, %dma_wait3A_112] : memref<10240x128xf32, #tpu.memory_space<vmem_shared>> -> memref<80x128xf32, #tpu.memory_space<vmem_shared>>
      tpu.wait_dma2 semaphore(%run_scoped3A : memref<!tpu.dma_semaphore, #tpu.memory_space<semaphore_mem>>) src(%dma_wait3A_113 : memref<80x128xf32, #tpu.memory_space<vmem_shared>>) dst(%arg11 : memref<80x128xf32, #tpu.memory_space<vmem>>)
      tpu.yield
    }) : () -> ()
    "tpu.region"() ({
      %run_scoped3A = tpu.sem_alloc : memref<!tpu.dma_semaphore, #tpu.memory_space<semaphore_mem>>
      %dma_start3A = arith.constant 0 : i32
      %dma_start3A_108 = tpu.memref_slice %arg8[%arg0, %multiple_of3A_82, %dma_start3A] : memref<2x10240x128xf32, #tpu.memory_space<hbm>> -> memref<1x80x128xf32, #tpu.memory_space<hbm>>
      %dma_start3A_109 = tpu.memref_squeeze %dma_start3A_108 : memref<1x80x128xf32, #tpu.memory_space<hbm>> -> memref<80x128xf32, #tpu.memory_space<hbm>>
      %dma_start3A_110 = arith.constant 0 : i32
      %dma_start3A_111 = tpu.memref_slice %arg8[%arg0, %multiple_of3A_82, %dma_start3A_110] : memref<2x10240x128xf32, #tpu.memory_space<hbm>> -> memref<1x80x128xf32, #tpu.memory_space<hbm>>
      %dma_start3A_112 = tpu.memref_squeeze %dma_start3A_111 : memref<1x80x128xf32, #tpu.memory_space<hbm>> -> memref<80x128xf32, #tpu.memory_space<hbm>>
      tpu.enqueue_dma source(%arg11 : memref<80x128xf32, #tpu.memory_space<vmem>>) target(%dma_start3A_112 : memref<80x128xf32, #tpu.memory_space<hbm>>) target_semaphore(%run_scoped3A : memref<!tpu.dma_semaphore, #tpu.memory_space<semaphore_mem>>)
      %dma_wait3A = arith.constant 0 : i32
      %dma_wait3A_113 = tpu.memref_slice %arg8[%arg0, %multiple_of3A_82, %dma_wait3A] : memref<2x10240x128xf32, #tpu.memory_space<hbm>> -> memref<1x80x128xf32, #tpu.memory_space<hbm>>
      %dma_wait3A_114 = tpu.memref_squeeze %dma_wait3A_113 : memref<1x80x128xf32, #tpu.memory_space<hbm>> -> memref<80x128xf32, #tpu.memory_space<hbm>>
      %dma_wait3A_115 = arith.constant 0 : i32
      %dma_wait3A_116 = tpu.memref_slice %arg8[%arg0, %multiple_of3A_82, %dma_wait3A_115] : memref<2x10240x128xf32, #tpu.memory_space<hbm>> -> memref<1x80x128xf32, #tpu.memory_space<hbm>>
      %dma_wait3A_117 = tpu.memref_squeeze %dma_wait3A_116 : memref<1x80x128xf32, #tpu.memory_space<hbm>> -> memref<80x128xf32, #tpu.memory_space<hbm>>
      tpu.wait_dma2 semaphore(%run_scoped3A : memref<!tpu.dma_semaphore, #tpu.memory_space<semaphore_mem>>) src(%arg11 : memref<80x128xf32, #tpu.memory_space<vmem>>) dst(%dma_wait3A_117 : memref<80x128xf32, #tpu.memory_space<hbm>>)
      tpu.yield
    }) : () -> ()
    %mul3A_83 = arith.constant 640 : i32
    %mul3A_84 = arith.muli %arg1, %mul3A_83 : i32
    %add3A_85 = arith.constant 240 : i32
    %add3A_86 = arith.addi %mul3A_84, %add3A_85 : i32
    %multiple_of3A_87 = tpu.assume_multiple %add3A_86, 80 : i32
    "tpu.region"() ({
      %run_scoped3A = tpu.sem_alloc : memref<!tpu.dma_semaphore, #tpu.memory_space<semaphore_mem>>
      %dma_start3A = arith.constant 0 : i32
      %dma_start3A_108 = tpu.memref_slice %arg13[%multiple_of3A_87, %dma_start3A] : memref<10240x128xf32, #tpu.memory_space<vmem_shared>> -> memref<80x128xf32, #tpu.memory_space<vmem_shared>>
      %dma_start3A_109 = arith.constant 0 : i32
      %dma_start3A_110 = tpu.memref_slice %arg13[%multiple_of3A_87, %dma_start3A_109] : memref<10240x128xf32, #tpu.memory_space<vmem_shared>> -> memref<80x128xf32, #tpu.memory_space<vmem_shared>>
      tpu.enqueue_dma source(%dma_start3A_110 : memref<80x128xf32, #tpu.memory_space<vmem_shared>>) target(%arg11 : memref<80x128xf32, #tpu.memory_space<vmem>>) target_semaphore(%run_scoped3A : memref<!tpu.dma_semaphore, #tpu.memory_space<semaphore_mem>>)
      %dma_wait3A = arith.constant 0 : i32
      %dma_wait3A_111 = tpu.memref_slice %arg13[%multiple_of3A_87, %dma_wait3A] : memref<10240x128xf32, #tpu.memory_space<vmem_shared>> -> memref<80x128xf32, #tpu.memory_space<vmem_shared>>
      %dma_wait3A_112 = arith.constant 0 : i32
      %dma_wait3A_113 = tpu.memref_slice %arg13[%multiple_of3A_87, %dma_wait3A_112] : memref<10240x128xf32, #tpu.memory_space<vmem_shared>> -> memref<80x128xf32, #tpu.memory_space<vmem_shared>>
      tpu.wait_dma2 semaphore(%run_scoped3A : memref<!tpu.dma_semaphore, #tpu.memory_space<semaphore_mem>>) src(%dma_wait3A_113 : memref<80x128xf32, #tpu.memory_space<vmem_shared>>) dst(%arg11 : memref<80x128xf32, #tpu.memory_space<vmem>>)
      tpu.yield
    }) : () -> ()
    "tpu.region"() ({
      %run_scoped3A = tpu.sem_alloc : memref<!tpu.dma_semaphore, #tpu.memory_space<semaphore_mem>>
      %dma_start3A = arith.constant 0 : i32
      %dma_start3A_108 = tpu.memref_slice %arg8[%arg0, %multiple_of3A_87, %dma_start3A] : memref<2x10240x128xf32, #tpu.memory_space<hbm>> -> memref<1x80x128xf32, #tpu.memory_space<hbm>>
      %dma_start3A_109 = tpu.memref_squeeze %dma_start3A_108 : memref<1x80x128xf32, #tpu.memory_space<hbm>> -> memref<80x128xf32, #tpu.memory_space<hbm>>
      %dma_start3A_110 = arith.constant 0 : i32
      %dma_start3A_111 = tpu.memref_slice %arg8[%arg0, %multiple_of3A_87, %dma_start3A_110] : memref<2x10240x128xf32, #tpu.memory_space<hbm>> -> memref<1x80x128xf32, #tpu.memory_space<hbm>>
      %dma_start3A_112 = tpu.memref_squeeze %dma_start3A_111 : memref<1x80x128xf32, #tpu.memory_space<hbm>> -> memref<80x128xf32, #tpu.memory_space<hbm>>
      tpu.enqueue_dma source(%arg11 : memref<80x128xf32, #tpu.memory_space<vmem>>) target(%dma_start3A_112 : memref<80x128xf32, #tpu.memory_space<hbm>>) target_semaphore(%run_scoped3A : memref<!tpu.dma_semaphore, #tpu.memory_space<semaphore_mem>>)
      %dma_wait3A = arith.constant 0 : i32
      %dma_wait3A_113 = tpu.memref_slice %arg8[%arg0, %multiple_of3A_87, %dma_wait3A] : memref<2x10240x128xf32, #tpu.memory_space<hbm>> -> memref<1x80x128xf32, #tpu.memory_space<hbm>>
      %dma_wait3A_114 = tpu.memref_squeeze %dma_wait3A_113 : memref<1x80x128xf32, #tpu.memory_space<hbm>> -> memref<80x128xf32, #tpu.memory_space<hbm>>
      %dma_wait3A_115 = arith.constant 0 : i32
      %dma_wait3A_116 = tpu.memref_slice %arg8[%arg0, %multiple_of3A_87, %dma_wait3A_115] : memref<2x10240x128xf32, #tpu.memory_space<hbm>> -> memref<1x80x128xf32, #tpu.memory_space<hbm>>
      %dma_wait3A_117 = tpu.memref_squeeze %dma_wait3A_116 : memref<1x80x128xf32, #tpu.memory_space<hbm>> -> memref<80x128xf32, #tpu.memory_space<hbm>>
      tpu.wait_dma2 semaphore(%run_scoped3A : memref<!tpu.dma_semaphore, #tpu.memory_space<semaphore_mem>>) src(%arg11 : memref<80x128xf32, #tpu.memory_space<vmem>>) dst(%dma_wait3A_117 : memref<80x128xf32, #tpu.memory_space<hbm>>)
      tpu.yield
    }) : () -> ()
    %mul3A_88 = arith.constant 640 : i32
    %mul3A_89 = arith.muli %arg1, %mul3A_88 : i32
    %add3A_90 = arith.constant 320 : i32
    %add3A_91 = arith.addi %mul3A_89, %add3A_90 : i32
    %multiple_of3A_92 = tpu.assume_multiple %add3A_91, 80 : i32
    "tpu.region"() ({
      %run_scoped3A = tpu.sem_alloc : memref<!tpu.dma_semaphore, #tpu.memory_space<semaphore_mem>>
      %dma_start3A = arith.constant 0 : i32
      %dma_start3A_108 = tpu.memref_slice %arg13[%multiple_of3A_92, %dma_start3A] : memref<10240x128xf32, #tpu.memory_space<vmem_shared>> -> memref<80x128xf32, #tpu.memory_space<vmem_shared>>
      %dma_start3A_109 = arith.constant 0 : i32
      %dma_start3A_110 = tpu.memref_slice %arg13[%multiple_of3A_92, %dma_start3A_109] : memref<10240x128xf32, #tpu.memory_space<vmem_shared>> -> memref<80x128xf32, #tpu.memory_space<vmem_shared>>
      tpu.enqueue_dma source(%dma_start3A_110 : memref<80x128xf32, #tpu.memory_space<vmem_shared>>) target(%arg11 : memref<80x128xf32, #tpu.memory_space<vmem>>) target_semaphore(%run_scoped3A : memref<!tpu.dma_semaphore, #tpu.memory_space<semaphore_mem>>)
      %dma_wait3A = arith.constant 0 : i32
      %dma_wait3A_111 = tpu.memref_slice %arg13[%multiple_of3A_92, %dma_wait3A] : memref<10240x128xf32, #tpu.memory_space<vmem_shared>> -> memref<80x128xf32, #tpu.memory_space<vmem_shared>>
      %dma_wait3A_112 = arith.constant 0 : i32
      %dma_wait3A_113 = tpu.memref_slice %arg13[%multiple_of3A_92, %dma_wait3A_112] : memref<10240x128xf32, #tpu.memory_space<vmem_shared>> -> memref<80x128xf32, #tpu.memory_space<vmem_shared>>
      tpu.wait_dma2 semaphore(%run_scoped3A : memref<!tpu.dma_semaphore, #tpu.memory_space<semaphore_mem>>) src(%dma_wait3A_113 : memref<80x128xf32, #tpu.memory_space<vmem_shared>>) dst(%arg11 : memref<80x128xf32, #tpu.memory_space<vmem>>)
      tpu.yield
    }) : () -> ()
    "tpu.region"() ({
      %run_scoped3A = tpu.sem_alloc : memref<!tpu.dma_semaphore, #tpu.memory_space<semaphore_mem>>
      %dma_start3A = arith.constant 0 : i32
      %dma_start3A_108 = tpu.memref_slice %arg8[%arg0, %multiple_of3A_92, %dma_start3A] : memref<2x10240x128xf32, #tpu.memory_space<hbm>> -> memref<1x80x128xf32, #tpu.memory_space<hbm>>
      %dma_start3A_109 = tpu.memref_squeeze %dma_start3A_108 : memref<1x80x128xf32, #tpu.memory_space<hbm>> -> memref<80x128xf32, #tpu.memory_space<hbm>>
      %dma_start3A_110 = arith.constant 0 : i32
      %dma_start3A_111 = tpu.memref_slice %arg8[%arg0, %multiple_of3A_92, %dma_start3A_110] : memref<2x10240x128xf32, #tpu.memory_space<hbm>> -> memref<1x80x128xf32, #tpu.memory_space<hbm>>
      %dma_start3A_112 = tpu.memref_squeeze %dma_start3A_111 : memref<1x80x128xf32, #tpu.memory_space<hbm>> -> memref<80x128xf32, #tpu.memory_space<hbm>>
      tpu.enqueue_dma source(%arg11 : memref<80x128xf32, #tpu.memory_space<vmem>>) target(%dma_start3A_112 : memref<80x128xf32, #tpu.memory_space<hbm>>) target_semaphore(%run_scoped3A : memref<!tpu.dma_semaphore, #tpu.memory_space<semaphore_mem>>)
      %dma_wait3A = arith.constant 0 : i32
      %dma_wait3A_113 = tpu.memref_slice %arg8[%arg0, %multiple_of3A_92, %dma_wait3A] : memref<2x10240x128xf32, #tpu.memory_space<hbm>> -> memref<1x80x128xf32, #tpu.memory_space<hbm>>
      %dma_wait3A_114 = tpu.memref_squeeze %dma_wait3A_113 : memref<1x80x128xf32, #tpu.memory_space<hbm>> -> memref<80x128xf32, #tpu.memory_space<hbm>>
      %dma_wait3A_115 = arith.constant 0 : i32
      %dma_wait3A_116 = tpu.memref_slice %arg8[%arg0, %multiple_of3A_92, %dma_wait3A_115] : memref<2x10240x128xf32, #tpu.memory_space<hbm>> -> memref<1x80x128xf32, #tpu.memory_space<hbm>>
      %dma_wait3A_117 = tpu.memref_squeeze %dma_wait3A_116 : memref<1x80x128xf32, #tpu.memory_space<hbm>> -> memref<80x128xf32, #tpu.memory_space<hbm>>
      tpu.wait_dma2 semaphore(%run_scoped3A : memref<!tpu.dma_semaphore, #tpu.memory_space<semaphore_mem>>) src(%arg11 : memref<80x128xf32, #tpu.memory_space<vmem>>) dst(%dma_wait3A_117 : memref<80x128xf32, #tpu.memory_space<hbm>>)
      tpu.yield
    }) : () -> ()
    %mul3A_93 = arith.constant 640 : i32
    %mul3A_94 = arith.muli %arg1, %mul3A_93 : i32
    %add3A_95 = arith.constant 400 : i32
    %add3A_96 = arith.addi %mul3A_94, %add3A_95 : i32
    %multiple_of3A_97 = tpu.assume_multiple %add3A_96, 80 : i32
    "tpu.region"() ({
      %run_scoped3A = tpu.sem_alloc : memref<!tpu.dma_semaphore, #tpu.memory_space<semaphore_mem>>
      %dma_start3A = arith.constant 0 : i32
      %dma_start3A_108 = tpu.memref_slice %arg13[%multiple_of3A_97, %dma_start3A] : memref<10240x128xf32, #tpu.memory_space<vmem_shared>> -> memref<80x128xf32, #tpu.memory_space<vmem_shared>>
      %dma_start3A_109 = arith.constant 0 : i32
      %dma_start3A_110 = tpu.memref_slice %arg13[%multiple_of3A_97, %dma_start3A_109] : memref<10240x128xf32, #tpu.memory_space<vmem_shared>> -> memref<80x128xf32, #tpu.memory_space<vmem_shared>>
      tpu.enqueue_dma source(%dma_start3A_110 : memref<80x128xf32, #tpu.memory_space<vmem_shared>>) target(%arg11 : memref<80x128xf32, #tpu.memory_space<vmem>>) target_semaphore(%run_scoped3A : memref<!tpu.dma_semaphore, #tpu.memory_space<semaphore_mem>>)
      %dma_wait3A = arith.constant 0 : i32
      %dma_wait3A_111 = tpu.memref_slice %arg13[%multiple_of3A_97, %dma_wait3A] : memref<10240x128xf32, #tpu.memory_space<vmem_shared>> -> memref<80x128xf32, #tpu.memory_space<vmem_shared>>
      %dma_wait3A_112 = arith.constant 0 : i32
      %dma_wait3A_113 = tpu.memref_slice %arg13[%multiple_of3A_97, %dma_wait3A_112] : memref<10240x128xf32, #tpu.memory_space<vmem_shared>> -> memref<80x128xf32, #tpu.memory_space<vmem_shared>>
      tpu.wait_dma2 semaphore(%run_scoped3A : memref<!tpu.dma_semaphore, #tpu.memory_space<semaphore_mem>>) src(%dma_wait3A_113 : memref<80x128xf32, #tpu.memory_space<vmem_shared>>) dst(%arg11 : memref<80x128xf32, #tpu.memory_space<vmem>>)
      tpu.yield
    }) : () -> ()
    "tpu.region"() ({
      %run_scoped3A = tpu.sem_alloc : memref<!tpu.dma_semaphore, #tpu.memory_space<semaphore_mem>>
      %dma_start3A = arith.constant 0 : i32
      %dma_start3A_108 = tpu.memref_slice %arg8[%arg0, %multiple_of3A_97, %dma_start3A] : memref<2x10240x128xf32, #tpu.memory_space<hbm>> -> memref<1x80x128xf32, #tpu.memory_space<hbm>>
      %dma_start3A_109 = tpu.memref_squeeze %dma_start3A_108 : memref<1x80x128xf32, #tpu.memory_space<hbm>> -> memref<80x128xf32, #tpu.memory_space<hbm>>
      %dma_start3A_110 = arith.constant 0 : i32
      %dma_start3A_111 = tpu.memref_slice %arg8[%arg0, %multiple_of3A_97, %dma_start3A_110] : memref<2x10240x128xf32, #tpu.memory_space<hbm>> -> memref<1x80x128xf32, #tpu.memory_space<hbm>>
      %dma_start3A_112 = tpu.memref_squeeze %dma_start3A_111 : memref<1x80x128xf32, #tpu.memory_space<hbm>> -> memref<80x128xf32, #tpu.memory_space<hbm>>
      tpu.enqueue_dma source(%arg11 : memref<80x128xf32, #tpu.memory_space<vmem>>) target(%dma_start3A_112 : memref<80x128xf32, #tpu.memory_space<hbm>>) target_semaphore(%run_scoped3A : memref<!tpu.dma_semaphore, #tpu.memory_space<semaphore_mem>>)
      %dma_wait3A = arith.constant 0 : i32
      %dma_wait3A_113 = tpu.memref_slice %arg8[%arg0, %multiple_of3A_97, %dma_wait3A] : memref<2x10240x128xf32, #tpu.memory_space<hbm>> -> memref<1x80x128xf32, #tpu.memory_space<hbm>>
      %dma_wait3A_114 = tpu.memref_squeeze %dma_wait3A_113 : memref<1x80x128xf32, #tpu.memory_space<hbm>> -> memref<80x128xf32, #tpu.memory_space<hbm>>
      %dma_wait3A_115 = arith.constant 0 : i32
      %dma_wait3A_116 = tpu.memref_slice %arg8[%arg0, %multiple_of3A_97, %dma_wait3A_115] : memref<2x10240x128xf32, #tpu.memory_space<hbm>> -> memref<1x80x128xf32, #tpu.memory_space<hbm>>
      %dma_wait3A_117 = tpu.memref_squeeze %dma_wait3A_116 : memref<1x80x128xf32, #tpu.memory_space<hbm>> -> memref<80x128xf32, #tpu.memory_space<hbm>>
      tpu.wait_dma2 semaphore(%run_scoped3A : memref<!tpu.dma_semaphore, #tpu.memory_space<semaphore_mem>>) src(%arg11 : memref<80x128xf32, #tpu.memory_space<vmem>>) dst(%dma_wait3A_117 : memref<80x128xf32, #tpu.memory_space<hbm>>)
      tpu.yield
    }) : () -> ()
    %mul3A_98 = arith.constant 640 : i32
    %mul3A_99 = arith.muli %arg1, %mul3A_98 : i32
    %add3A_100 = arith.constant 480 : i32
    %add3A_101 = arith.addi %mul3A_99, %add3A_100 : i32
    %multiple_of3A_102 = tpu.assume_multiple %add3A_101, 80 : i32
    "tpu.region"() ({
      %run_scoped3A = tpu.sem_alloc : memref<!tpu.dma_semaphore, #tpu.memory_space<semaphore_mem>>
      %dma_start3A = arith.constant 0 : i32
      %dma_start3A_108 = tpu.memref_slice %arg13[%multiple_of3A_102, %dma_start3A] : memref<10240x128xf32, #tpu.memory_space<vmem_shared>> -> memref<80x128xf32, #tpu.memory_space<vmem_shared>>
      %dma_start3A_109 = arith.constant 0 : i32
      %dma_start3A_110 = tpu.memref_slice %arg13[%multiple_of3A_102, %dma_start3A_109] : memref<10240x128xf32, #tpu.memory_space<vmem_shared>> -> memref<80x128xf32, #tpu.memory_space<vmem_shared>>
      tpu.enqueue_dma source(%dma_start3A_110 : memref<80x128xf32, #tpu.memory_space<vmem_shared>>) target(%arg11 : memref<80x128xf32, #tpu.memory_space<vmem>>) target_semaphore(%run_scoped3A : memref<!tpu.dma_semaphore, #tpu.memory_space<semaphore_mem>>)
      %dma_wait3A = arith.constant 0 : i32
      %dma_wait3A_111 = tpu.memref_slice %arg13[%multiple_of3A_102, %dma_wait3A] : memref<10240x128xf32, #tpu.memory_space<vmem_shared>> -> memref<80x128xf32, #tpu.memory_space<vmem_shared>>
      %dma_wait3A_112 = arith.constant 0 : i32
      %dma_wait3A_113 = tpu.memref_slice %arg13[%multiple_of3A_102, %dma_wait3A_112] : memref<10240x128xf32, #tpu.memory_space<vmem_shared>> -> memref<80x128xf32, #tpu.memory_space<vmem_shared>>
      tpu.wait_dma2 semaphore(%run_scoped3A : memref<!tpu.dma_semaphore, #tpu.memory_space<semaphore_mem>>) src(%dma_wait3A_113 : memref<80x128xf32, #tpu.memory_space<vmem_shared>>) dst(%arg11 : memref<80x128xf32, #tpu.memory_space<vmem>>)
      tpu.yield
    }) : () -> ()
    "tpu.region"() ({
      %run_scoped3A = tpu.sem_alloc : memref<!tpu.dma_semaphore, #tpu.memory_space<semaphore_mem>>
      %dma_start3A = arith.constant 0 : i32
      %dma_start3A_108 = tpu.memref_slice %arg8[%arg0, %multiple_of3A_102, %dma_start3A] : memref<2x10240x128xf32, #tpu.memory_space<hbm>> -> memref<1x80x128xf32, #tpu.memory_space<hbm>>
      %dma_start3A_109 = tpu.memref_squeeze %dma_start3A_108 : memref<1x80x128xf32, #tpu.memory_space<hbm>> -> memref<80x128xf32, #tpu.memory_space<hbm>>
      %dma_start3A_110 = arith.constant 0 : i32
      %dma_start3A_111 = tpu.memref_slice %arg8[%arg0, %multiple_of3A_102, %dma_start3A_110] : memref<2x10240x128xf32, #tpu.memory_space<hbm>> -> memref<1x80x128xf32, #tpu.memory_space<hbm>>
      %dma_start3A_112 = tpu.memref_squeeze %dma_start3A_111 : memref<1x80x128xf32, #tpu.memory_space<hbm>> -> memref<80x128xf32, #tpu.memory_space<hbm>>
      tpu.enqueue_dma source(%arg11 : memref<80x128xf32, #tpu.memory_space<vmem>>) target(%dma_start3A_112 : memref<80x128xf32, #tpu.memory_space<hbm>>) target_semaphore(%run_scoped3A : memref<!tpu.dma_semaphore, #tpu.memory_space<semaphore_mem>>)
      %dma_wait3A = arith.constant 0 : i32
      %dma_wait3A_113 = tpu.memref_slice %arg8[%arg0, %multiple_of3A_102, %dma_wait3A] : memref<2x10240x128xf32, #tpu.memory_space<hbm>> -> memref<1x80x128xf32, #tpu.memory_space<hbm>>
      %dma_wait3A_114 = tpu.memref_squeeze %dma_wait3A_113 : memref<1x80x128xf32, #tpu.memory_space<hbm>> -> memref<80x128xf32, #tpu.memory_space<hbm>>
      %dma_wait3A_115 = arith.constant 0 : i32
      %dma_wait3A_116 = tpu.memref_slice %arg8[%arg0, %multiple_of3A_102, %dma_wait3A_115] : memref<2x10240x128xf32, #tpu.memory_space<hbm>> -> memref<1x80x128xf32, #tpu.memory_space<hbm>>
      %dma_wait3A_117 = tpu.memref_squeeze %dma_wait3A_116 : memref<1x80x128xf32, #tpu.memory_space<hbm>> -> memref<80x128xf32, #tpu.memory_space<hbm>>
      tpu.wait_dma2 semaphore(%run_scoped3A : memref<!tpu.dma_semaphore, #tpu.memory_space<semaphore_mem>>) src(%arg11 : memref<80x128xf32, #tpu.memory_space<vmem>>) dst(%dma_wait3A_117 : memref<80x128xf32, #tpu.memory_space<hbm>>)
      tpu.yield
    }) : () -> ()
    %mul3A_103 = arith.constant 640 : i32
    %mul3A_104 = arith.muli %arg1, %mul3A_103 : i32
    %add3A_105 = arith.constant 560 : i32
    %add3A_106 = arith.addi %mul3A_104, %add3A_105 : i32
    %multiple_of3A_107 = tpu.assume_multiple %add3A_106, 80 : i32
    "tpu.region"() ({
      %run_scoped3A = tpu.sem_alloc : memref<!tpu.dma_semaphore, #tpu.memory_space<semaphore_mem>>
      %dma_start3A = arith.constant 0 : i32
      %dma_start3A_108 = tpu.memref_slice %arg13[%multiple_of3A_107, %dma_start3A] : memref<10240x128xf32, #tpu.memory_space<vmem_shared>> -> memref<80x128xf32, #tpu.memory_space<vmem_shared>>
      %dma_start3A_109 = arith.constant 0 : i32
      %dma_start3A_110 = tpu.memref_slice %arg13[%multiple_of3A_107, %dma_start3A_109] : memref<10240x128xf32, #tpu.memory_space<vmem_shared>> -> memref<80x128xf32, #tpu.memory_space<vmem_shared>>
      tpu.enqueue_dma source(%dma_start3A_110 : memref<80x128xf32, #tpu.memory_space<vmem_shared>>) target(%arg11 : memref<80x128xf32, #tpu.memory_space<vmem>>) target_semaphore(%run_scoped3A : memref<!tpu.dma_semaphore, #tpu.memory_space<semaphore_mem>>)
      %dma_wait3A = arith.constant 0 : i32
      %dma_wait3A_111 = tpu.memref_slice %arg13[%multiple_of3A_107, %dma_wait3A] : memref<10240x128xf32, #tpu.memory_space<vmem_shared>> -> memref<80x128xf32, #tpu.memory_space<vmem_shared>>
      %dma_wait3A_112 = arith.constant 0 : i32
      %dma_wait3A_113 = tpu.memref_slice %arg13[%multiple_of3A_107, %dma_wait3A_112] : memref<10240x128xf32, #tpu.memory_space<vmem_shared>> -> memref<80x128xf32, #tpu.memory_space<vmem_shared>>
      tpu.wait_dma2 semaphore(%run_scoped3A : memref<!tpu.dma_semaphore, #tpu.memory_space<semaphore_mem>>) src(%dma_wait3A_113 : memref<80x128xf32, #tpu.memory_space<vmem_shared>>) dst(%arg11 : memref<80x128xf32, #tpu.memory_space<vmem>>)
      tpu.yield
    }) : () -> ()
    "tpu.region"() ({
      %run_scoped3A = tpu.sem_alloc : memref<!tpu.dma_semaphore, #tpu.memory_space<semaphore_mem>>
      %dma_start3A = arith.constant 0 : i32
      %dma_start3A_108 = tpu.memref_slice %arg8[%arg0, %multiple_of3A_107, %dma_start3A] : memref<2x10240x128xf32, #tpu.memory_space<hbm>> -> memref<1x80x128xf32, #tpu.memory_space<hbm>>
      %dma_start3A_109 = tpu.memref_squeeze %dma_start3A_108 : memref<1x80x128xf32, #tpu.memory_space<hbm>> -> memref<80x128xf32, #tpu.memory_space<hbm>>
      %dma_start3A_110 = arith.constant 0 : i32
      %dma_start3A_111 = tpu.memref_slice %arg8[%arg0, %multiple_of3A_107, %dma_start3A_110] : memref<2x10240x128xf32, #tpu.memory_space<hbm>> -> memref<1x80x128xf32, #tpu.memory_space<hbm>>
      %dma_start3A_112 = tpu.memref_squeeze %dma_start3A_111 : memref<1x80x128xf32, #tpu.memory_space<hbm>> -> memref<80x128xf32, #tpu.memory_space<hbm>>
      tpu.enqueue_dma source(%arg11 : memref<80x128xf32, #tpu.memory_space<vmem>>) target(%dma_start3A_112 : memref<80x128xf32, #tpu.memory_space<hbm>>) target_semaphore(%run_scoped3A : memref<!tpu.dma_semaphore, #tpu.memory_space<semaphore_mem>>)
      %dma_wait3A = arith.constant 0 : i32
      %dma_wait3A_113 = tpu.memref_slice %arg8[%arg0, %multiple_of3A_107, %dma_wait3A] : memref<2x10240x128xf32, #tpu.memory_space<hbm>> -> memref<1x80x128xf32, #tpu.memory_space<hbm>>
      %dma_wait3A_114 = tpu.memref_squeeze %dma_wait3A_113 : memref<1x80x128xf32, #tpu.memory_space<hbm>> -> memref<80x128xf32, #tpu.memory_space<hbm>>
      %dma_wait3A_115 = arith.constant 0 : i32
      %dma_wait3A_116 = tpu.memref_slice %arg8[%arg0, %multiple_of3A_107, %dma_wait3A_115] : memref<2x10240x128xf32, #tpu.memory_space<hbm>> -> memref<1x80x128xf32, #tpu.memory_space<hbm>>
      %dma_wait3A_117 = tpu.memref_squeeze %dma_wait3A_116 : memref<1x80x128xf32, #tpu.memory_space<hbm>> -> memref<80x128xf32, #tpu.memory_space<hbm>>
      tpu.wait_dma2 semaphore(%run_scoped3A : memref<!tpu.dma_semaphore, #tpu.memory_space<semaphore_mem>>) src(%arg11 : memref<80x128xf32, #tpu.memory_space<vmem>>) dst(%dma_wait3A_117 : memref<80x128xf32, #tpu.memory_space<hbm>>)
      tpu.yield
    }) : () -> ()
    return
  }
}

module attributes {stable_mosaic.version = 14 : i64} {
  func.func @_tc1_body(%arg0: i32, %arg1: memref<400x128xf32, #tpu.memory_space<vmem>>, %arg2: memref<128x128xf32, #tpu.memory_space<vmem>>, %arg3: memref<128x128xf32, #tpu.memory_space<vmem>>, %arg4: memref<128x128xf32, #tpu.memory_space<vmem>>, %arg5: memref<400x128xf32, #tpu.memory_space<vmem>>, %arg6: memref<400x128xf32, #tpu.memory_space<vmem>>) attributes {dimension_semantics = [#tpu.dimension_semantics<arbitrary>], iteration_bounds = array<i64: 25>, scalar_prefetch = 0 : i64, scratch_operands = 0 : i64, tpu.core_type = #tpu.core_type<tc>, window_params = [{transform_indices = @transform_0, window_bounds = array<i64: 400, 128>}, {pipeline_mode = #tpu.pipeline_mode<synchronous>, transform_indices = @transform_1, window_bounds = array<i64: 128, 128>}, {pipeline_mode = #tpu.pipeline_mode<synchronous>, transform_indices = @transform_2, window_bounds = array<i64: 128, 128>}, {pipeline_mode = #tpu.pipeline_mode<synchronous>, transform_indices = @transform_3, window_bounds = array<i64: 128, 128>}, {transform_indices = @transform_4, window_bounds = array<i64: 400, 128>}, {transform_indices = @transform_5, window_bounds = array<i64: 400, 128>}]} {
    %get3A = arith.constant 0 : index
    %get3A_0 = arith.constant 0 : index
    %get3A_1 = vector.load %arg1[%get3A, %get3A_0] : memref<400x128xf32, #tpu.memory_space<vmem>>, vector<400x128xf32>
    %get3A_2 = arith.constant 0 : index
    %get3A_3 = arith.constant 0 : index
    %get3A_4 = vector.load %arg2[%get3A_2, %get3A_3] : memref<128x128xf32, #tpu.memory_space<vmem>>, vector<128x128xf32>
    %dot_general3A = arith.constant dense<0.000000e+00> : vector<400x128xf32>
    %dot_general3A_5 = tpu.matmul %get3A_1, %get3A_4, %dot_general3A {dimension_numbers = #tpu.dot_dimension_numbers<[1], [0], [0], [1], [0, 0, 1, 1], [], []>, transpose_lhs_hint = false} : vector<400x128xf32>, vector<128x128xf32>, vector<400x128xf32> -> vector<400x128xf32>
    %get3A_6 = arith.constant 0 : index
    %get3A_7 = arith.constant 0 : index
    %get3A_8 = vector.load %arg3[%get3A_6, %get3A_7] : memref<128x128xf32, #tpu.memory_space<vmem>>, vector<128x128xf32>
    %dot_general3A_9 = arith.constant dense<0.000000e+00> : vector<400x128xf32>
    %dot_general3A_10 = tpu.matmul %dot_general3A_5, %get3A_8, %dot_general3A_9 {dimension_numbers = #tpu.dot_dimension_numbers<[1], [0], [0], [1], [0, 0, 1, 1], [], []>, transpose_lhs_hint = false} : vector<400x128xf32>, vector<128x128xf32>, vector<400x128xf32> -> vector<400x128xf32>
    %swap3A = arith.constant 0 : index
    %swap3A_11 = arith.constant 0 : index
    %swap3A_12 = vector.load %arg5[%swap3A, %swap3A_11] : memref<400x128xf32, #tpu.memory_space<vmem>>, vector<400x128xf32>
    tpu.vector_store %arg5[%swap3A, %swap3A_11], %dot_general3A_10 {strides = array<i32>} : memref<400x128xf32, #tpu.memory_space<vmem>>, vector<400x128xf32>,
    %get3A_13 = arith.constant 0 : index
    %get3A_14 = arith.constant 0 : index
    %get3A_15 = vector.load %arg4[%get3A_13, %get3A_14] : memref<128x128xf32, #tpu.memory_space<vmem>>, vector<128x128xf32>
    %dot_general3A_16 = arith.constant dense<0.000000e+00> : vector<400x128xf32>
    %dot_general3A_17 = tpu.matmul %dot_general3A_5, %get3A_15, %dot_general3A_16 {dimension_numbers = #tpu.dot_dimension_numbers<[1], [0], [0], [1], [0, 0, 1, 1], [], []>, transpose_lhs_hint = false} : vector<400x128xf32>, vector<128x128xf32>, vector<400x128xf32> -> vector<400x128xf32>
    %swap3A_18 = arith.constant 0 : index
    %swap3A_19 = arith.constant 0 : index
    %swap3A_20 = vector.load %arg6[%swap3A_18, %swap3A_19] : memref<400x128xf32, #tpu.memory_space<vmem>>, vector<400x128xf32>
    tpu.vector_store %arg6[%swap3A_18, %swap3A_19], %dot_general3A_17 {strides = array<i32>} : memref<400x128xf32, #tpu.memory_space<vmem>>, vector<400x128xf32>,
    return
  }
  func.func @transform_0(%arg0: i32) -> (i32, i32) {
    %c0_i32 = arith.constant 0 : i32
    %c0_i32_0 = arith.constant 0 : i32
    return %arg0, %c0_i32 : i32, i32
  }
  func.func @transform_1(%arg0: i32) -> (i32, i32) {
    %c0_i32 = arith.constant 0 : i32
    %c0_i32_0 = arith.constant 0 : i32
    %c0_i32_1 = arith.constant 0 : i32
    return %c0_i32, %c0_i32_0 : i32, i32
  }
  func.func @transform_2(%arg0: i32) -> (i32, i32) {
    %c0_i32 = arith.constant 0 : i32
    %c0_i32_0 = arith.constant 0 : i32
    %c0_i32_1 = arith.constant 0 : i32
    return %c0_i32, %c0_i32_0 : i32, i32
  }
  func.func @transform_3(%arg0: i32) -> (i32, i32) {
    %c0_i32 = arith.constant 0 : i32
    %c0_i32_0 = arith.constant 0 : i32
    %c0_i32_1 = arith.constant 0 : i32
    return %c0_i32, %c0_i32_0 : i32, i32
  }
  func.func @transform_4(%arg0: i32) -> (i32, i32) {
    %c0_i32 = arith.constant 0 : i32
    %c0_i32_0 = arith.constant 0 : i32
    return %arg0, %c0_i32 : i32, i32
  }
  func.func @transform_5(%arg0: i32) -> (i32, i32) {
    %c0_i32 = arith.constant 0 : i32
    %c0_i32_0 = arith.constant 0 : i32
    return %arg0, %c0_i32 : i32, i32
  }
}

module attributes {stable_mosaic.version = 14 : i64} {
  func.func @_tc2_body(%arg0: i32, %arg1: memref<400x128xf32, #tpu.memory_space<vmem>>, %arg2: memref<400x128xf32, #tpu.memory_space<vmem>>, %arg3: memref<400x128xf32, #tpu.memory_space<vmem>>, %arg4: memref<400x128xf32, #tpu.memory_space<vmem>>, %arg5: memref<400x128xf32, #tpu.memory_space<vmem>>, %arg6: memref<1x128xf32, #tpu.memory_space<vmem>>, %arg7: memref<1x128xf32, #tpu.memory_space<vmem>>, %arg8: memref<1x128xf32, #tpu.memory_space<vmem>>, %arg9: memref<400x128xf32, #tpu.memory_space<vmem>>) attributes {dimension_semantics = [#tpu.dimension_semantics<arbitrary>], iteration_bounds = array<i64: 25>, scalar_prefetch = 0 : i64, scratch_operands = 0 : i64, tpu.core_type = #tpu.core_type<tc>, window_params = [{transform_indices = @transform_0, window_bounds = array<i64: 400, 128>}, {transform_indices = @transform_1, window_bounds = array<i64: 400, 128>}, {transform_indices = @transform_2, window_bounds = array<i64: 400, 128>}, {transform_indices = @transform_3, window_bounds = array<i64: 400, 128>}, {transform_indices = @transform_4, window_bounds = array<i64: 400, 128>}, {pipeline_mode = #tpu.pipeline_mode<synchronous>, transform_indices = @transform_5, window_bounds = array<i64: 1, 128>}, {pipeline_mode = #tpu.pipeline_mode<synchronous>, transform_indices = @transform_6, window_bounds = array<i64: 1, 128>}, {pipeline_mode = #tpu.pipeline_mode<synchronous>, transform_indices = @transform_7, window_bounds = array<i64: 1, 128>}, {transform_indices = @transform_8, window_bounds = array<i64: 400, 128>}]} {
    %get3A = arith.constant 0 : index
    %get3A_0 = arith.constant 0 : index
    %get3A_1 = vector.load %arg1[%get3A, %get3A_0] : memref<400x128xf32, #tpu.memory_space<vmem>>, vector<400x128xf32>
    %get3A_2 = arith.constant 0 : index
    %get3A_3 = arith.constant 0 : index
    %get3A_4 = vector.load %arg2[%get3A_2, %get3A_3] : memref<400x128xf32, #tpu.memory_space<vmem>>, vector<400x128xf32>
    %add3A = arith.addf %get3A_1, %get3A_4 : vector<400x128xf32>
    %get3A_5 = arith.constant 0 : index
    %get3A_6 = arith.constant 0 : index
    %get3A_7 = vector.load %arg3[%get3A_5, %get3A_6] : memref<400x128xf32, #tpu.memory_space<vmem>>, vector<400x1xf32>
    %get3A_8 = arith.constant 0 : index
    %get3A_9 = arith.constant 0 : index
    %get3A_10 = vector.load %arg4[%get3A_8, %get3A_9] : memref<400x128xf32, #tpu.memory_space<vmem>>, vector<400x1xf32>
    %add3A_11 = arith.addf %get3A_7, %get3A_10 : vector<400x1xf32>
    %max3A = arith.constant 1.000000e+00 : f32
    %max3A_12 = vector.broadcast %max3A : f32 to vector<400x1xf32>
    %max3A_13 = arith.maximumf %add3A_11, %max3A_12 : vector<400x1xf32>
    %div3A = vector.broadcast %max3A_13 : vector<400x1xf32> to vector<400x128xf32>
    %div3A_14 = arith.divf %add3A, %div3A : vector<400x128xf32>
    %get3A_15 = arith.constant 0 : index
    %get3A_16 = arith.constant 0 : index
    %get3A_17 = vector.load %arg6[%get3A_15, %get3A_16] : memref<1x128xf32, #tpu.memory_space<vmem>>, vector<1x128xf32>
    %add3A_18 = vector.broadcast %get3A_17 : vector<1x128xf32> to vector<400x128xf32>
    %add3A_19 = arith.addf %div3A_14, %add3A_18 : vector<400x128xf32>
    %get3A_20 = arith.constant 0 : index
    %get3A_21 = arith.constant 0 : index
    %get3A_22 = vector.load %arg5[%get3A_20, %get3A_21] : memref<400x128xf32, #tpu.memory_space<vmem>>, vector<400x128xf32>
    %add3A_23 = arith.addf %add3A_19, %get3A_22 : vector<400x128xf32>
    %reduce_sum3A = arith.constant dense<0.000000e+00> : vector<400xf32>
    %reduce_sum3A_24 = vector.multi_reduction <add>, %add3A_23, %reduce_sum3A [1] : vector<400x128xf32> to vector<400xf32>
    %broadcast_in_dim3A = vector.shape_cast %reduce_sum3A_24 : vector<400xf32> to vector<400x1xf32>
    %div3A_25 = arith.constant 1.280000e+02 : f32
    %div3A_26 = vector.broadcast %div3A_25 : f32 to vector<400x1xf32>
    %div3A_27 = arith.divf %broadcast_in_dim3A, %div3A_26 : vector<400x1xf32>
    %sub3A = vector.broadcast %div3A_27 : vector<400x1xf32> to vector<400x128xf32>
    %sub3A_28 = arith.subf %add3A_23, %sub3A : vector<400x128xf32>
    %mul3A = arith.mulf %sub3A_28, %sub3A_28 : vector<400x128xf32>
    %reduce_sum3A_29 = arith.constant dense<0.000000e+00> : vector<400xf32>
    %reduce_sum3A_30 = vector.multi_reduction <add>, %mul3A, %reduce_sum3A_29 [1] : vector<400x128xf32> to vector<400xf32>
    %broadcast_in_dim3A_31 = vector.shape_cast %reduce_sum3A_30 : vector<400xf32> to vector<400x1xf32>
    %div3A_32 = arith.constant 1.280000e+02 : f32
    %div3A_33 = vector.broadcast %div3A_32 : f32 to vector<400x1xf32>
    %div3A_34 = arith.divf %broadcast_in_dim3A_31, %div3A_33 : vector<400x1xf32>
    %add3A_35 = arith.constant 9.99999974E-6 : f32
    %add3A_36 = vector.broadcast %add3A_35 : f32 to vector<400x1xf32>
    %add3A_37 = arith.addf %div3A_34, %add3A_36 : vector<400x1xf32>
    %rsqrt3A = math.rsqrt %add3A_37 : vector<400x1xf32>
    %mul3A_38 = vector.broadcast %rsqrt3A : vector<400x1xf32> to vector<400x128xf32>
    %mul3A_39 = arith.mulf %sub3A_28, %mul3A_38 : vector<400x128xf32>
    %get3A_40 = arith.constant 0 : index
    %get3A_41 = arith.constant 0 : index
    %get3A_42 = vector.load %arg7[%get3A_40, %get3A_41] : memref<1x128xf32, #tpu.memory_space<vmem>>, vector<1x128xf32>
    %mul3A_43 = vector.broadcast %get3A_42 : vector<1x128xf32> to vector<400x128xf32>
    %mul3A_44 = arith.mulf %mul3A_39, %mul3A_43 : vector<400x128xf32>
    %get3A_45 = arith.constant 0 : index
    %get3A_46 = arith.constant 0 : index
    %get3A_47 = vector.load %arg8[%get3A_45, %get3A_46] : memref<1x128xf32, #tpu.memory_space<vmem>>, vector<1x128xf32>
    %add3A_48 = vector.broadcast %get3A_47 : vector<1x128xf32> to vector<400x128xf32>
    %add3A_49 = arith.addf %mul3A_44, %add3A_48 : vector<400x128xf32>
    %max3A_50 = arith.constant 0.000000e+00 : f32
    %max3A_51 = vector.broadcast %max3A_50 : f32 to vector<400x128xf32>
    %max3A_52 = arith.maximumf %add3A_49, %max3A_51 : vector<400x128xf32>
    %swap3A = arith.constant 0 : index
    %swap3A_53 = arith.constant 0 : index
    %swap3A_54 = vector.load %arg9[%swap3A, %swap3A_53] : memref<400x128xf32, #tpu.memory_space<vmem>>, vector<400x128xf32>
    tpu.vector_store %arg9[%swap3A, %swap3A_53], %max3A_52 {strides = array<i32>} : memref<400x128xf32, #tpu.memory_space<vmem>>, vector<400x128xf32>,
    return
  }
  func.func @transform_0(%arg0: i32) -> (i32, i32) {
    %c0_i32 = arith.constant 0 : i32
    %c0_i32_0 = arith.constant 0 : i32
    return %arg0, %c0_i32 : i32, i32
  }
  func.func @transform_1(%arg0: i32) -> (i32, i32) {
    %c0_i32 = arith.constant 0 : i32
    %c0_i32_0 = arith.constant 0 : i32
    return %arg0, %c0_i32 : i32, i32
  }
  func.func @transform_2(%arg0: i32) -> (i32, i32) {
    %c0_i32 = arith.constant 0 : i32
    %c0_i32_0 = arith.constant 0 : i32
    return %arg0, %c0_i32 : i32, i32
  }
  func.func @transform_3(%arg0: i32) -> (i32, i32) {
    %c0_i32 = arith.constant 0 : i32
    %c0_i32_0 = arith.constant 0 : i32
    return %arg0, %c0_i32 : i32, i32
  }
  func.func @transform_4(%arg0: i32) -> (i32, i32) {
    %c0_i32 = arith.constant 0 : i32
    %c0_i32_0 = arith.constant 0 : i32
    return %arg0, %c0_i32 : i32, i32
  }
  func.func @transform_5(%arg0: i32) -> (i32, i32) {
    %c0_i32 = arith.constant 0 : i32
    %c0_i32_0 = arith.constant 0 : i32
    %c0_i32_1 = arith.constant 0 : i32
    return %c0_i32, %c0_i32_0 : i32, i32
  }
  func.func @transform_6(%arg0: i32) -> (i32, i32) {
    %c0_i32 = arith.constant 0 : i32
    %c0_i32_0 = arith.constant 0 : i32
    %c0_i32_1 = arith.constant 0 : i32
    return %c0_i32, %c0_i32_0 : i32, i32
  }
  func.func @transform_7(%arg0: i32) -> (i32, i32) {
    %c0_i32 = arith.constant 0 : i32
    %c0_i32_0 = arith.constant 0 : i32
    %c0_i32_1 = arith.constant 0 : i32
    return %c0_i32, %c0_i32_0 : i32, i32
  }
  func.func @transform_8(%arg0: i32) -> (i32, i32) {
    %c0_i32 = arith.constant 0 : i32
    %c0_i32_0 = arith.constant 0 : i32
    return %arg0, %c0_i32 : i32, i32
  }
}

</mosaic_0001>

<sc_bundles>
// kernel: kernel.5.cloned.1.call-start
scs
__scs_entry_jumppad:
0x0: {  	(pc) =	sbr.rel $0x88, $3  }
0x1: {  	(tag) =	ssettag $0x0;
	lr =	simm.s32 $0x1  }
0x2: {  	[smem:$0x3F99] =	sst lr;
	_ =	strace $0xD0000000  }
0x3: {  	_ = 	snop  }
0x4: {  	_ = 	snop  }
0x5: {  	_ = 	snop  }
0x6: {  	_ = 	snop  }
0x7: {  	_ = 	snop  }
__scs_overlays_trampoline_lowered:
0x8: {  	[smem:$0x3FA8] =	sst s0  }
0x9: {  	[smem:$0x3FA9] =	sst s1  }
0xa: {  	[smem:$0x3FAA] =	sst s2  }
0xb: {  	[smem:$0x3FAB] =	sst s3  }
0xc: {  	[smem:$0x3FAC] =	sst s4  }
0xd: {  	[smem:$0x3FAD] =	sst s5  }
0xe: {  	[smem:$0x3FAE] =	sst s6  }
0xf: {  	[smem:$0x3FAF] =	sst s7  }
0x10: {  	[smem:$0x3FB0] =	sst s8  }
0x11: {  	[smem:$0x3FB1] =	sst s9;
	s0 =	simm.s32 @!p0 $0x0  }
0x12: {  	s1 =	sld [smem:$0x3F97];
	s0 =	simm.s32 @p0 $0x1  }
0x13: {  	[smem:$0x3FB2] =	sst s0;
	s0 =	simm.s32 @!p1 $0x0  }
0x14: {  	s2 =	sld [smem:$0x3F96];
	s0 =	simm.s32 @p1 $0x1  }
0x15: {  	[smem:$0x3FB3] =	sst s0;
	s0 =	simm.s32 @!p2 $0x0  }
0x16: {  	s3 =	sld [smem:$0x3FDB];
	s0 =	simm.s32 @p2 $0x1  }
0x17: {  	s4 =	simm.s32 $0x1BF5;
	[smem:$0x3FB5] =	sst s0  }
0x18: {  	s0 =	sld [smem:$0x3F98];
	_ =	swait.ge [sflag:s4], $0x0  }
0x19: {  	s7 =	sld [smem:$0x3F99]  }
0x1a: {  	s8 =	sadd.s32 $0xFFFFE003, lr  }
0x1b: {  	s9 =	sadd.s32 $0xFFFFFEF7, lr;
	s5 =	simm.s32 $0xFFFFFFFF;
	p2 =	slt.u32 s8, $0xFFFFF086  }
0x1c: {  	p1 =	slt.u32 s9, $0xF7A;
	s5 =	simm.s32 @!p2 $0x0  }
0x1d: {  	s5 =	simm.s32 @p1 $0x1;
	p0 =	seq.s32 s7, s2  }
0x1e: {  	s7 =	smul.u32 @!p0 $0xF7A, s2;
	p2 =	seq.s32 @!p0 s5, $0x0  }
0x1f: {  	s9 =	smul.u32 $0xF7A, s1;
	s8 =	simm.s32 @!p0 $0x1BF5;
	p2 =	por !p2, p0  }
0x20: {  	[sflag:s8] =	ssyncset.s32 @!p0 $0xFFFFF086;
	s6 =	sadd.s32 @!p0 s3, s7;
	s7 =	simm.s32 @!p0 $0x108  }
0x21: {  	s3 =	sadd.s32 s3, s9;
	s6 =	sadd.s32 @!p0 $0x88, s6;
	s7 =	simm.s32 @p2 $0x1082  }
0x22: {  	[simem:s7], [sflag:s8] =	dma.local @!p0 [hbm:s6], $0xF7A  }
0x23: {  	s9 =	sor.u32 $0xD0000000, s2;
	s6 =	simm.s32 $0x108;
	_ =	swait.ge @!p0 [sflag:s8], $0x0  }
0x24: {  	s3 =	sadd.s32 $0x88, s3;
	s6 =	simm.s32 @!p1 $0x1082;
	[sflag:s4] =	ssyncset.s32 $0xFFFFF086  }
0x25: {  	[simem:s6], [sflag:s4] =	dma.local [hbm:s3], $0xF7A  }
0x26: {  	[smem:$0x3F99] =	sst s1;
	(tag) =	ssettag s2;
	_ =	strace s9  }
0x27: {  	s1 =	sld [smem:$0x3FA9]  }
0x28: {  	s2 =	sld [smem:$0x3FAA]  }
0x29: {  	s4 =	sld [smem:$0x3FAC]  }
0x2a: {  	p0 =	seq.s32 s5, $0x0;
	s5 =	sld [smem:$0x3FAD]  }
0x2b: {  	s6 =	sld [smem:$0x3FAE]  }
0x2c: {  	s7 =	sld [smem:$0x3FAF]  }
0x2d: {  	s3 =	simm.s32 $0x108;
	s8 =	sld [smem:$0x3FB0]  }
0x2e: {  	s3 =	simm.s32 @!p0 $0x1082;
	s9 =	sld [smem:$0x3FB1]  }
0x2f: {  	lr =	sadd.s32 s0, s3;
	s0 =	sld [smem:$0x3FA8]  }
0x30: {  	s3 =	sld [smem:$0x3FAB]  }
0x31: {  	[smem:$0x3FB4] =	sst s10  }
0x32: {  	s10 =	sld [smem:$0x3FB2];
	_ =	sdelay $0x3  }
0x33: {  	p0 =	seq.s32 s10, $0x1;
	s10 =	sld [smem:$0x3FB4];
	_ =	sdelay $0x3  }
0x34: {  	[smem:$0x3FB4] =	sst s10  }
0x35: {  	s10 =	sld [smem:$0x3FB3];
	_ =	sdelay $0x3  }
0x36: {  	p1 =	seq.s32 s10, $0x1;
	s10 =	sld [smem:$0x3FB4];
	_ =	sdelay $0x3  }
0x37: {  	[smem:$0x3FB4] =	sst s10  }
0x38: {  	s10 =	sld [smem:$0x3FB5]  }
0x39: {  	_ = 	snop;
	(pc) =	sbr.ind lr, $3  }
0x3a: {  	_ = 	snop  }
0x3b: {  	_ = 	snop  }
0x3c: {  	p2 =	seq.s32 s10, $0x1;
	s10 =	sld [smem:$0x3FB4]  }
0x3d: {  	_ =	shalt  }
0x3e: {  	_ =	shalt  }
0x3f: {  	_ =	shalt  }
0x40: {  	_ =	shalt  }
0x41: {  	_ =	shalt  }
0x42: {  	_ =	shalt  }
0x43: {  	_ =	shalt  }
0x44: {  	_ =	shalt  }
0x45: {  	_ =	shalt  }
0x46: {  	_ =	shalt  }
0x47: {  	_ =	shalt  }
0x48: {  	_ =	shalt  }
0x49: {  	_ =	shalt  }
0x4a: {  	_ =	shalt  }
0x4b: {  	_ =	shalt  }
0x4c: {  	_ =	shalt  }
0x4d: {  	_ =	shalt  }
0x4e: {  	_ =	shalt  }
0x4f: {  	_ =	shalt  }
0x50: {  	_ =	shalt  }
0x51: {  	_ =	shalt  }
0x52: {  	_ =	shalt  }
0x53: {  	_ =	shalt  }
0x54: {  	_ =	shalt  }
0x55: {  	_ =	shalt  }
0x56: {  	_ =	shalt  }
0x57: {  	_ =	shalt  }
0x58: {  	_ =	shalt  }
0x59: {  	_ =	shalt  }
0x5a: {  	_ =	shalt  }
0x5b: {  	_ =	shalt  }
0x5c: {  	_ =	shalt  }
0x5d: {  	_ =	shalt  }
0x5e: {  	_ =	shalt  }
0x5f: {  	_ =	shalt  }
0x60: {  	_ =	shalt  }
0x61: {  	_ =	shalt  }
0x62: {  	_ =	shalt  }
0x63: {  	_ =	shalt  }
0x64: {  	_ =	shalt  }
0x65: {  	_ =	shalt  }
0x66: {  	_ =	shalt  }
0x67: {  	_ =	shalt  }
0x68: {  	_ =	shalt  }
0x69: {  	_ =	shalt  }
0x6a: {  	_ =	shalt  }
0x6b: {  	_ =	shalt  }
0x6c: {  	_ =	shalt  }
0x6d: {  	_ =	shalt  }
0x6e: {  	_ =	shalt  }
0x6f: {  	_ =	shalt  }
0x70: {  	_ =	shalt  }
0x71: {  	_ =	shalt  }
0x72: {  	_ =	shalt  }
0x73: {  	_ =	shalt  }
0x74: {  	_ =	shalt  }
0x75: {  	_ =	shalt  }
0x76: {  	_ =	shalt  }
0x77: {  	_ =	shalt  }
0x78: {  	_ =	shalt  }
0x79: {  	_ =	shalt  }
0x7a: {  	_ =	shalt  }
0x7b: {  	_ =	shalt  }
0x7c: {  	_ =	shalt  }
0x7d: {  	_ =	shalt  }
0x7e: {  	_ =	shalt  }
0x7f: {  	_ =	shalt  }
0x80: {  	_ =	shalt  }
0x81: {  	_ =	shalt  }
0x82: {  	_ =	shalt  }
0x83: {  	_ =	shalt  }
0x84: {  	_ =	shalt  }
0x85: {  	_ =	shalt  }
0x86: {  	_ =	shalt  }
0x87: {  	_ =	shalt  }
.Lfunc_end0:
.L_simem_size_0:
called_computation_lowered:
.L_overlay_start_0:
0x88: {  	s2 =	sld [smem:$0x3FD9]  }
0x89: {  	s3 =	sld [smem:$0x3FFE];
	_ =	sdelay $0x1  }
0x8a: {  	s1 =	srdreg.scid  }
0x8b: {  	s0 =	sand.u32 $0x1, s1  }
0x8c: {  	s17 =	sshll.u32 s0, $0xA;
	s2 =	sadd.s32 s3, s2  }
0x8d: {  	s2 =	sadd.s32 s2, s17  }
0x8e: {  	[smem:$0x3FC0] =	sst s2  }
0x8f: {  	_ = 	snop  }
0x90: {  	s2 =	sld [smem:$0x3FD0];
	(tm) =	ssettm $0x1  }
0x91: {  	s18 =	sld [smem:$0x3FFB];
	_ =	sdelay $0x3  }
0x92: {  	_ =	strace s18  }
0x93: {  	s3 =	sld [smem:$0x3FFC];
	_ =	sdelay $0x3  }
0x94: {  	_ =	strace s3  }
0x95: {  	s3 =	sld [smem:$0x3FFD];
	_ =	sdelay $0x3  }
0x96: {  	_ =	strace s3  }
0x97: {  	_ =	strace $0x8FFFFFFF  }
0x98: {  	s19 =	sld [smem:$0x3FDB];
	_ =	sdelay $0x1  }
0x99: {  	s4 =	simm.s32 $_scs_section_size  }
0x9a: {  	s5 =	simm.s32 $_size__tile_overlayer_lowered;
	s6 =	simm.s32 $_tile_overlayer_lowered  }
0x9b: {  	s22 =	simm.s32 $0x1BFF;
	s21 =	sshll.u32 s6, $0x1;
	s3 =	sadd.s32 s4, s19  }
0x9c: {  	s7 =	simm.s32 $0x0;
	s20 =	sshll.u32 s5, $0x1;
	s5 =	sadd.s32 s21, s3  }
0x9d: {  	[timem:s7], [sflag:s22] =	dma.local [hbm:s5], s20  }
0x9e: {  	_ =	swait.ge [sflag:s22], s20  }
0x9f: {  	s4 =	ssub.s32 $0x0, s20;
	[sflag:s22] =	ssyncset.done $0x0  }
0xa0: {  	[sflag:s22] =	ssyncadd.s32 s4;
	_ =	sdelay $0x1  }
0xa1: {  	s23 =	simm.s32 $0x1B8B  }
0xa2: {  	_ =	swait.ge [sflag:s23], $0x1  }
0xa3: {  	[sflag:s23] =	ssyncset.done $0x0  }
0xa4: {  	s25 =	simm.s32 $0x1B8E;
	s24 =	sld [smem:$0x3FFE];
	[sflag:s23] =	ssyncadd.s32 $0xFFFFFFFF  }
0xa5: {  	s26 =	simm.s32 $execute0_lowered;
	[smem:$0x3FD2] =	sst s25  }
0xa6: {  	s5 =	sshll.u32 s26, $0x1;
	_ =	strace $0x80000046;
	[dreg:$0x1] =	wrdreg $0xFFFFFFFF  }
0xa7: {  	s28 =	simm.s32 $_size_execute0_lowered;
	s3 =	sadd.s32 s3, s5;
	[dreg:$0x0] =	wrdreg $0x0  }
0xa8: {  	s5 =	sshll.u32 s28, $0x1;
	[dreg:$0x2] =	wrdreg s3  }
0xa9: {  	[dreg:$0x3] =	wrdreg s5  }
0xaa: {  	[dreg:$0x4] =	wrdreg $0xC0  }
0xab: {  	_ =	task [dreg:s7], $0x5FFFF  }
0xac: {  	[dreg:$0x1] =	wrdreg $0xFFFFFFFF  }
0xad: {  	[dreg:$0x0] =	wrdreg $0x60  }
0xae: {  	[dreg:$0x2] =	wrdreg s2  }
0xaf: {  	[dreg:$0x3] =	wrdreg s24  }
0xb0: {  	[dreg:$0x4] =	wrdreg $0x51000  }
0xb1: {  	[dreg:$0x5] =	wrdreg $0x9  }
0xb2: {  	_ =	task.clear_ibuf [dreg:s7], $0x6FFFF;
	_ =	strace $0x90000046  }
0xb3: {  	s29 =	simm.s32 $0x9;
	_ =	strace $0x80000048  }
0xb4: {  	_ =	swait.ge [sflag:s29], $0x1  }
0xb5: {  	[sflag:s29] =	ssyncadd.s32 $0xFFFFFFFF  }
0xb6: {  	_ =	strace $0x90000048  }
0xb7: {  	_ =	sfence  }
0xb8: {  	s30 =	sld [smem:$0x0];
	_ =	sdelay $0x2  }
0xb9: {  	s31 =	sshll.u32 s1, $0xD;
	s1 =	sshrl.u32 s1, $0x2  }
0xba: {  	s3 =	sand.u32 $0x4000, s31;
	s1 =	sadd.s32 s1, s30  }
0xbb: {  	s0 =	sor.u32 s3, s0;
	s1 =	sshll.u32 s1, $0x11  }
0xbc: {  	s0 =	sor.u32 s1, s0  }
0xbd: {  	s0 =	sadd.s32 $0x8F2B, s0  }
0xbe: {  	[sflag:s0] =	ssyncadd.remote.s32 $0x1  }
0xbf: {  	_ =	sfence.sel $0xFFFF  }
0xc0: {  	[dreg:$0x0] =	wrdreg $0xFFFFFFFF;
	(pc) =	sbr.abs _section_cstart, $3  }
0xc1: {  	[dreg:$0x1] =	wrdreg $0xFFFFFFFF  }
0xc2: {  	_ =	task.clear_ibuf [dreg:s7], $0x2FFFF;
	_ =	strace $0x9FFFFFFF  }
0xc3: {  	(tm) =	ssettm $0x7FFFFFFF  }
tec
execute0_lowered:
.L_overlay_start_1:
0x0: {  	(tag) =	ssettag $0x1  }
0x1: {  	s20 =	stileid.u32  }
0x2: {  	s0 =	srdreg.scid;
	s3 =	smul.u32 $0x2800, s20  }
0x3: {  	s0 =	sand.u32 $0x1, s0;
	s6 =	smul.u32 $0x14000, s20  }
0x4: {  	s5 =	rddreg [dreg:$0x1];
	s2 =	smul.u32 $0x28000, s0  }
0x5: {  	s1 =	simm.s32 $0x0;
	s4 =	smul.u32 $0x140000, s0;
	s0 =	ssub.s32 $0x2, s0  }
0x6: {  	[smem:$0x7FF] =	sst s1;
	s7 =	sadd.s32 $0x66000, s5;
	s9 =	sshrl.u32 s0, $0x1  }
0x7: {  	s10 =	sor.u32 $0x2800, s6;
	s11 =	sadd.s32 $0x5000, s6;
	s12 =	sadd.s32 $0x7800, s6  }
0x8: {  	s16 =	sadd.s32 $0xA000, s6;
	s29 =	sadd.s32 $0xC800, s6;
	s30 =	sadd.s32 $0xF000, s6  }
0x9: {  	s2 =	sadd.s32 s3, s2;
	s3 =	sadd.s32 $0x16000, s5;
	s8 =	sadd.s32 s6, s4  }
0xa: {  	s0 =	ssub.s32 s0, s9;
	s21 =	sadd.s32 s4, s10;
	s22 =	sadd.s32 s4, s11  }
0xb: {  	s14 =	sadd.s32 s4, s12;
	s24 =	sadd.s32 s4, s16;
	s17 =	sadd.s32 s4, s29  }
0xc: {  	s18 =	sadd.s32 s4, s30;
	s6 =	sadd.s32 $0x11800, s6;
	s8 =	sshrl.u32 s8, $0x3  }
0xd: {  	s9 =	sshrl.u32 s21, $0x3;
	s14 =	sshrl.u32 s14, $0x3;
	s19 =	sadd.s32 s3, s8  }
0xe: {  	s17 =	sshrl.u32 s17, $0x3;
	s13 =	sadd.s32 s3, s9;
	[dreg:$0x4] =	wrdreg s19  }
0xf: {  	s18 =	sshrl.u32 s18, $0x3;
	s23 =	sadd.s32 s3, s14;
	[dreg:$0x5] =	wrdreg s13  }
0x10: {  	s4 =	sadd.s32 s4, s6;
	s25 =	sadd.s32 s3, s17;
	[dreg:$0x7] =	wrdreg s23  }
0x11: {  	s2 =	sshrl.u32 s2, $0x3;
	s26 =	sadd.s32 s3, s18;
	[dreg:$0x9] =	wrdreg s25  }
0x12: {  	s4 =	sshrl.u32 s4, $0x3;
	s21 =	sadd.s32 s7, s9;
	[dreg:$0xa] =	wrdreg s26  }
0x13: {  	s18 =	sadd.s32 s7, s18;
	s2 =	sadd.s32 s2, s5;
	[dreg:$0xd] =	wrdreg s21  }
0x14: {  	s23 =	sadd.s32 s7, s14;
	s25 =	sadd.s32 s7, s17;
	s17 =	rddreg [dreg:$0x0]  }
0x15: {  	s9 =	simm.s32 $0x1;
	s13 =	sshrl.u32 s22, $0x3;
	[dreg:$0xf] =	wrdreg s23  }
0x16: {  	s26 =	smul.u32 $0x50000, s20;
	s15 =	sadd.s32 s3, s13;
	[dreg:$0x11] =	wrdreg s25  }
0x17: {  	s22 =	sadd.s32 s7, s13;
	[dreg:$0x6] =	wrdreg s15;
	s15 =	sshrl.u32 s24, $0x3  }
0x18: {  	s20 =	sadd.s32 s7, s4;
	[dreg:$0xe] =	wrdreg s22;
	s19 =	sadd.s32 s3, s15  }
0x19: {  	s21 =	sadd.s32 $0x15A00, s5;
	s3 =	sadd.s32 s3, s4;
	[dreg:$0x8] =	wrdreg s19  }
0x1a: {  	s22 =	sadd.s32 $0x15400, s5;
	s24 =	sadd.s32 s7, s15;
	[dreg:$0xb] =	wrdreg s3  }
0x1b: {  	s5 =	simm.s32 $0x2;
	s19 =	sadd.s32 s7, s8;
	[dreg:$0x10] =	wrdreg s24  }
0x1c: {  	s4 =	simm.s32 $0x100;
	s3 =	sshrl.u32 s26, $0x2;
	[dreg:$0xc] =	wrdreg s19  }
0x1d: {  	s7 =	simm.s32 $0x80;
	s8 =	simm.s32 $0x50;
	s19 =	rddreg [dreg:$0x2]  }
0x1e: {  	_ =	strace $0x80000047;
	s23 =	sadd.s32 s3, s19;
	s24 =	sadd.s32 s10, s19  }
0x1f: {  	s25 =	sadd.s32 s11, s19;
	s26 =	sadd.s32 s12, s19;
	s28 =	sadd.s32 s16, s19  }
0x20: {  	s29 =	sadd.s32 s29, s19;
	s30 =	sadd.s32 s30, s19;
	s31 =	sadd.s32 s6, s19  }
0x21: {  	s16 =	smax.u32 s0, $0x1;
	s0 =	sadd.s32 $0x1400, s2;
	s2 =	sadd.s32 $0xB400, s2  }
0x22: {  	s6 =	simm.s32 $0x2900;
	s10 =	simm.s32 $0x0;
	s3 =	sadd.s32 $0x2800, s23  }
.LBB2_1:
0x23: {  	[tilespmem:s4], [sflag:$0x2] =	stream.linear.gather [hbm4b:s21+s1], $0x2800, $0x38;
	[tilespmem:$0x19100] =	vst v63  }
0x24: {  	_ =	swait.ge [sflag:s5], $0x2800  }
0x25: {  	[sflag:s5] =	ssyncset.done $0x0  }
0x26: {  	[sflag:s5] =	ssyncadd.s32 $0xFFFFD800  }
0x27: {  	[tilespmem:s6], [sflag:$0x2] =	stream.linear.gather [hbm4b:s22+s1], $0x2800, $0x38;
	[tilespmem:$0x19100] =	vst v63  }
0x28: {  	_ =	swait.ge [sflag:s5], $0x2800  }
0x29: {  	[sflag:s5] =	ssyncset.done $0x0  }
0x2a: {  	[sflag:s5] =	ssyncadd.s32 $0xFFFFD800  }
0x2b: {  	[spmem:s23] =	stream.linear.scatter [tilespmem:s4], [sflag:$0x2], $0x2800, $0x38;
	[tilespmem:$0x19100] =	vst v63  }
0x2c: {  	_ =	swait.ge [sflag:s5], $0x2800  }
0x2d: {  	[sflag:s5] =	ssyncset.done $0x0  }
0x2e: {  	[sflag:s5] =	ssyncadd.s32 $0xFFFFD800  }
0x2f: {  	[spmem:s3] =	stream.linear.scatter [tilespmem:s4], [sflag:$0x2], $0x2800, $0x38;
	[tilespmem:$0x19100] =	vst v63  }
0x30: {  	_ =	swait.ge [sflag:s5], $0x2800  }
0x31: {  	[sflag:s5] =	ssyncset.done $0x0  }
0x32: {  	[sflag:s5] =	ssyncadd.s32 $0xFFFFD800  }
0x33: {  	[spmem:s25] =	stream.linear.scatter [tilespmem:s4], [sflag:$0x2], $0x2800, $0x38;
	[tilespmem:$0x19100] =	vst v63  }
0x34: {  	_ =	swait.ge [sflag:s5], $0x2800  }
0x35: {  	[sflag:s5] =	ssyncset.done $0x0  }
0x36: {  	[sflag:s5] =	ssyncadd.s32 $0xFFFFD800  }
0x37: {  	[spmem:s26] =	stream.linear.scatter [tilespmem:s4], [sflag:$0x2], $0x2800, $0x38;
	[tilespmem:$0x19100] =	vst v63  }
0x38: {  	_ =	swait.ge [sflag:s5], $0x2800  }
0x39: {  	[sflag:s5] =	ssyncset.done $0x0  }
0x3a: {  	[sflag:s5] =	ssyncadd.s32 $0xFFFFD800  }
0x3b: {  	[spmem:s28] =	stream.linear.scatter [tilespmem:s4], [sflag:$0x2], $0x2800, $0x38;
	[tilespmem:$0x19100] =	vst v63  }
0x3c: {  	_ =	swait.ge [sflag:s5], $0x2800  }
0x3d: {  	[sflag:s5] =	ssyncset.done $0x0  }
0x3e: {  	[sflag:s5] =	ssyncadd.s32 $0xFFFFD800  }
0x3f: {  	[spmem:s29] =	stream.linear.scatter [tilespmem:s4], [sflag:$0x2], $0x2800, $0x38;
	[tilespmem:$0x19100] =	vst v63  }
0x40: {  	_ =	swait.ge [sflag:s5], $0x2800  }
0x41: {  	[sflag:s5] =	ssyncset.done $0x0  }
0x42: {  	[sflag:s5] =	ssyncadd.s32 $0xFFFFD800  }
0x43: {  	[spmem:s30] =	stream.linear.scatter [tilespmem:s4], [sflag:$0x2], $0x2800, $0x38;
	[tilespmem:$0x19100] =	vst v63  }
0x44: {  	_ =	swait.ge [sflag:s5], $0x2800  }
0x45: {  	[sflag:s5] =	ssyncset.done $0x0  }
0x46: {  	[sflag:s5] =	ssyncadd.s32 $0xFFFFD800  }
0x47: {  	[spmem:s31] =	stream.linear.scatter [tilespmem:s4], [sflag:$0x2], $0x2800, $0x38;
	[tilespmem:$0x19100] =	vst v63  }
0x48: {  	_ =	swait.ge [sflag:s5], $0x2800  }
0x49: {  	[sflag:s5] =	ssyncset.done $0x0  }
0x4a: {  	[sflag:s5] =	ssyncadd.s32 $0xFFFFD800  }
0x4b: {  	s11 =	sadd.s32 $0x0, s2;
	[bflag:$0x0] =	sbarrier.arrive $0xFFFF  }
0x4c: {  	[tilespmem:s1], [sflag:$0x2] =	stream.linear.gather [hbm4b:s11+s1], $0x50, $0x38;
	[tilespmem:$0x19100] =	vst v63  }
0x4d: {  	_ =	swait.ge [sflag:s5], $0x50  }
0x4e: {  	[sflag:s5] =	ssyncset.done $0x0  }
0x4f: {  	s15 =	sadd.s32 $0x0, s0;
	[sflag:s5] =	ssyncadd.s32 $0xFFFFFFB0  }
0x50: {  	[tilespmem:s7], [sflag:$0x2] =	stream.linear.gather [hbm4b:s15+s1], $0x50, $0x38;
	[tilespmem:$0x19100] =	vst v63  }
0x51: {  	_ =	swait.ge [sflag:s5], $0x50  }
0x52: {  	[sflag:s5] =	ssyncset.done $0x0  }
0x53: {  	[sflag:s5] =	ssyncadd.s32 $0xFFFFFFB0  }
0x54: {  	[tilespmem:s4], [sflag:$0x1] =	stream.indirect.gather [hbm4b:s17+s8], $0x80, s1, s8, $0xb8;
	[tilespmem:$0x19100] =	vst v63  }
0x55: {  	_ =	swait.ge [sflag:s9], $0x2800  }
0x56: {  	[sflag:s9] =	ssyncset.done $0x0  }
0x57: {  	[sflag:s9] =	ssyncadd.s32 $0xFFFFD800  }
0x58: {  	[spmem:s19] =	stream.indirect.scatter.add.f32 [tilespmem:s4], [sflag:$0x2], $0x80, s7, s8, $0xb8;
	[tilespmem:$0x19100] =	vst v63  }
0x59: {  	_ =	swait.ge [sflag:s5], $0x2800  }
0x5a: {  	s12 =	simm.s32 $0x14;
	s11 =	simm.s32 $0xA;
	[sflag:s5] =	ssyncset.done $0x0  }
.LBB2_2:
0x5b: {  	s13 =	sadd.s32 s11, s2  }
0x5c: {  	[sflag:s5] =	ssyncadd.s32 $0xFFFFD800;
	s14 =	smov.u32 s12;
	s15 =	sadd.s32 $0xA, s12  }
0x5d: {  	[tilespmem:s1], [sflag:$0x2] =	stream.linear.gather [hbm4b:s13+s1], $0x50, $0x38;
	[tilespmem:$0x19100] =	vst v63  }
0x5e: {  	p0 =	sne.s32 s12, $0x4F6;
	_ =	swait.ge [sflag:s5], $0x50  }
0x5f: {  	[sflag:s5] =	ssyncset.done $0x0  }
0x60: {  	s12 =	sadd.s32 s11, s0;
	s11 =	smov.u32 s14;
	[sflag:s5] =	ssyncadd.s32 $0xFFFFFFB0  }
0x61: {  	[tilespmem:s7], [sflag:$0x2] =	stream.linear.gather [hbm4b:s12+s1], $0x50, $0x38;
	[tilespmem:$0x19100] =	vst v63  }
0x62: {  	_ =	swait.ge [sflag:s5], $0x50  }
0x63: {  	[sflag:s5] =	ssyncset.done $0x0  }
0x64: {  	[sflag:s5] =	ssyncadd.s32 $0xFFFFFFB0  }
0x65: {  	[tilespmem:s4], [sflag:$0x1] =	stream.indirect.gather [hbm4b:s17+s8], $0x80, s1, s8, $0xb8;
	[tilespmem:$0x19100] =	vst v63  }
0x66: {  	_ =	swait.ge [sflag:s9], $0x2800  }
.Ltmp0:
0x67: {  	[sflag:s9] =	ssyncset.done $0x0;
	(pc) =	sbr.rel @p0 .LBB2_2-.Ltmp0, $4  }
0x68: {  	[sflag:s9] =	ssyncadd.s32 $0xFFFFD800  }
0x69: {  	[spmem:s19] =	stream.indirect.scatter.add.f32 [tilespmem:s4], [sflag:$0x2], $0x80, s7, s8, $0xb8;
	[tilespmem:$0x19100] =	vst v63  }
0x6a: {  	_ =	swait.ge [sflag:s5], $0x2800  }
0x6b: {  	s12 =	smov.u32 s15;
	[sflag:s5] =	ssyncset.done $0x0  }
0x6c: {  	s12 =	sadd.s32 s11, s2;
	[sflag:s5] =	ssyncadd.s32 $0xFFFFD800  }
0x6d: {  	[tilespmem:s1], [sflag:$0x2] =	stream.linear.gather [hbm4b:s12+s1], $0x50, $0x38;
	[tilespmem:$0x19100] =	vst v63  }
0x6e: {  	_ =	swait.ge [sflag:s5], $0x50  }
0x6f: {  	[sflag:s5] =	ssyncset.done $0x0  }
0x70: {  	s12 =	sadd.s32 s11, s0;
	[sflag:s5] =	ssyncadd.s32 $0xFFFFFFB0  }
0x71: {  	[tilespmem:s7], [sflag:$0x2] =	stream.linear.gather [hbm4b:s12+s1], $0x50, $0x38;
	[tilespmem:$0x19100] =	vst v63  }
0x72: {  	_ =	swait.ge [sflag:s5], $0x50  }
0x73: {  	[sflag:s5] =	ssyncset.done $0x0  }
0x74: {  	[sflag:s5] =	ssyncadd.s32 $0xFFFFFFB0  }
0x75: {  	[tilespmem:s4], [sflag:$0x1] =	stream.indirect.gather [hbm4b:s17+s8], $0x80, s1, s8, $0xb8;
	[tilespmem:$0x19100] =	vst v63  }
0x76: {  	_ =	swait.ge [sflag:s9], $0x2800  }
0x77: {  	[sflag:s9] =	ssyncset.done $0x0  }
0x78: {  	[sflag:s9] =	ssyncadd.s32 $0xFFFFD800  }
0x79: {  	[spmem:s19] =	stream.indirect.scatter.add.f32 [tilespmem:s4], [sflag:$0x2], $0x80, s7, s8, $0xb8;
	[tilespmem:$0x19100] =	vst v63  }
0x7a: {  	_ =	swait.ge [sflag:s5], $0x2800  }
0x7b: {  	[sflag:s5] =	ssyncset.done $0x0  }
0x7c: {  	[sflag:s5] =	ssyncadd.s32 $0xFFFFD800  }
0x7d: {  	[bflag:$0x0] =	sbarrier.arrive $0xFFFF  }
0x7e: {  	[tilespmem:s4], [sflag:$0x2] =	stream.linear.gather [spmem:s23], $0x2800, $0x38;
	[tilespmem:$0x19100] =	vst v63  }
0x7f: {  	_ =	swait.ge [sflag:s5], $0x2800  }
0x80: {  	[sflag:s5] =	ssyncset.done $0x0  }
0x81: {  	s11 =	simm.s32 $0x0;
	s13 =	rddreg [dreg:$0x4];
	[sflag:s5] =	ssyncadd.s32 $0xFFFFD800  }
0x82: {  	[hbm4b:s13+s11] =	stream.linear.scatter [tilespmem:s4], [sflag:$0x2], $0x2800, $0x38;
	[tilespmem:$0x19100] =	vst v63  }
0x83: {  	_ =	swait.ge [sflag:s5], $0x2800  }
0x84: {  	[sflag:s5] =	ssyncset.done $0x0  }
0x85: {  	[sflag:s5] =	ssyncadd.s32 $0xFFFFD800  }
0x86: {  	[tilespmem:s4], [sflag:$0x2] =	stream.linear.gather [spmem:s24], $0x2800, $0x38;
	[tilespmem:$0x19100] =	vst v63  }
0x87: {  	_ =	swait.ge [sflag:s5], $0x2800  }
0x88: {  	[sflag:s5] =	ssyncset.done $0x0  }
0x89: {  	s14 =	rddreg [dreg:$0x5];
	[sflag:s5] =	ssyncadd.s32 $0xFFFFD800  }
0x8a: {  	[hbm4b:s14+s11] =	stream.linear.scatter [tilespmem:s4], [sflag:$0x2], $0x2800, $0x38;
	[tilespmem:$0x19100] =	vst v63  }
0x8b: {  	_ =	swait.ge [sflag:s5], $0x2800  }
0x8c: {  	[sflag:s5] =	ssyncset.done $0x0  }
0x8d: {  	[sflag:s5] =	ssyncadd.s32 $0xFFFFD800  }
0x8e: {  	[tilespmem:s4], [sflag:$0x2] =	stream.linear.gather [spmem:s25], $0x2800, $0x38;
	[tilespmem:$0x19100] =	vst v63  }
0x8f: {  	_ =	swait.ge [sflag:s5], $0x2800  }
0x90: {  	[sflag:s5] =	ssyncset.done $0x0  }
0x91: {  	s15 =	rddreg [dreg:$0x6];
	[sflag:s5] =	ssyncadd.s32 $0xFFFFD800  }
0x92: {  	[hbm4b:s15+s11] =	stream.linear.scatter [tilespmem:s4], [sflag:$0x2], $0x2800, $0x38;
	[tilespmem:$0x19100] =	vst v63  }
0x93: {  	_ =	swait.ge [sflag:s5], $0x2800  }
0x94: {  	[sflag:s5] =	ssyncset.done $0x0  }
0x95: {  	[sflag:s5] =	ssyncadd.s32 $0xFFFFD800  }
0x96: {  	[tilespmem:s4], [sflag:$0x2] =	stream.linear.gather [spmem:s26], $0x2800, $0x38;
	[tilespmem:$0x19100] =	vst v63  }
0x97: {  	_ =	swait.ge [sflag:s5], $0x2800  }
0x98: {  	[sflag:s5] =	ssyncset.done $0x0  }
0x99: {  	s13 =	rddreg [dreg:$0x7];
	[sflag:s5] =	ssyncadd.s32 $0xFFFFD800  }
0x9a: {  	[hbm4b:s13+s11] =	stream.linear.scatter [tilespmem:s4], [sflag:$0x2], $0x2800, $0x38;
	[tilespmem:$0x19100] =	vst v63  }
0x9b: {  	_ =	swait.ge [sflag:s5], $0x2800  }
0x9c: {  	[sflag:s5] =	ssyncset.done $0x0  }
0x9d: {  	[sflag:s5] =	ssyncadd.s32 $0xFFFFD800  }
0x9e: {  	[tilespmem:s4], [sflag:$0x2] =	stream.linear.gather [spmem:s28], $0x2800, $0x38;
	[tilespmem:$0x19100] =	vst v63  }
0x9f: {  	_ =	swait.ge [sflag:s5], $0x2800  }
0xa0: {  	[sflag:s5] =	ssyncset.done $0x0  }
0xa1: {  	s14 =	rddreg [dreg:$0x8];
	[sflag:s5] =	ssyncadd.s32 $0xFFFFD800  }
0xa2: {  	[hbm4b:s14+s11] =	stream.linear.scatter [tilespmem:s4], [sflag:$0x2], $0x2800, $0x38;
	[tilespmem:$0x19100] =	vst v63  }
0xa3: {  	_ =	swait.ge [sflag:s5], $0x2800  }
0xa4: {  	[sflag:s5] =	ssyncset.done $0x0  }
0xa5: {  	[sflag:s5] =	ssyncadd.s32 $0xFFFFD800  }
0xa6: {  	[tilespmem:s4], [sflag:$0x2] =	stream.linear.gather [spmem:s29], $0x2800, $0x38;
	[tilespmem:$0x19100] =	vst v63  }
0xa7: {  	_ =	swait.ge [sflag:s5], $0x2800  }
0xa8: {  	[sflag:s5] =	ssyncset.done $0x0  }
0xa9: {  	s15 =	rddreg [dreg:$0x9];
	[sflag:s5] =	ssyncadd.s32 $0xFFFFD800  }
0xaa: {  	[hbm4b:s15+s11] =	stream.linear.scatter [tilespmem:s4], [sflag:$0x2], $0x2800, $0x38;
	[tilespmem:$0x19100] =	vst v63  }
0xab: {  	_ =	swait.ge [sflag:s5], $0x2800  }
0xac: {  	[sflag:s5] =	ssyncset.done $0x0  }
0xad: {  	[sflag:s5] =	ssyncadd.s32 $0xFFFFD800  }
0xae: {  	[tilespmem:s4], [sflag:$0x2] =	stream.linear.gather [spmem:s30], $0x2800, $0x38;
	[tilespmem:$0x19100] =	vst v63  }
0xaf: {  	_ =	swait.ge [sflag:s5], $0x2800  }
0xb0: {  	[sflag:s5] =	ssyncset.done $0x0  }
0xb1: {  	s13 =	rddreg [dreg:$0xa];
	[sflag:s5] =	ssyncadd.s32 $0xFFFFD800  }
0xb2: {  	[hbm4b:s13+s11] =	stream.linear.scatter [tilespmem:s4], [sflag:$0x2], $0x2800, $0x38;
	[tilespmem:$0x19100] =	vst v63  }
0xb3: {  	_ =	swait.ge [sflag:s5], $0x2800  }
0xb4: {  	[sflag:s5] =	ssyncset.done $0x0  }
0xb5: {  	[sflag:s5] =	ssyncadd.s32 $0xFFFFD800  }
0xb6: {  	[tilespmem:s4], [sflag:$0x2] =	stream.linear.gather [spmem:s31], $0x2800, $0x38;
	[tilespmem:$0x19100] =	vst v63  }
0xb7: {  	_ =	swait.ge [sflag:s5], $0x2800  }
0xb8: {  	[sflag:s5] =	ssyncset.done $0x0  }
0xb9: {  	s14 =	rddreg [dreg:$0xb];
	[sflag:s5] =	ssyncadd.s32 $0xFFFFD800  }
0xba: {  	[hbm4b:s14+s11] =	stream.linear.scatter [tilespmem:s4], [sflag:$0x2], $0x2800, $0x38;
	[tilespmem:$0x19100] =	vst v63  }
0xbb: {  	_ =	swait.ge [sflag:s5], $0x2800  }
0xbc: {  	[sflag:s5] =	ssyncset.done $0x0  }
0xbd: {  	[sflag:s5] =	ssyncadd.s32 $0xFFFFD800  }
0xbe: {  	[tilespmem:s4], [sflag:$0x2] =	stream.linear.gather [hbm4b:s21+s11], $0x2800, $0x38;
	[tilespmem:$0x19100] =	vst v63  }
0xbf: {  	_ =	swait.ge [sflag:s5], $0x2800  }
0xc0: {  	[sflag:s5] =	ssyncset.done $0x0  }
0xc1: {  	[sflag:s5] =	ssyncadd.s32 $0xFFFFD800  }
0xc2: {  	[spmem:s23] =	stream.linear.scatter [tilespmem:s4], [sflag:$0x2], $0x2800, $0x38;
	[tilespmem:$0x19100] =	vst v63  }
0xc3: {  	_ =	swait.ge [sflag:s5], $0x2800  }
0xc4: {  	[sflag:s5] =	ssyncset.done $0x0  }
0xc5: {  	[sflag:s5] =	ssyncadd.s32 $0xFFFFD800  }
0xc6: {  	[spmem:s3] =	stream.linear.scatter [tilespmem:s4], [sflag:$0x2], $0x2800, $0x38;
	[tilespmem:$0x19100] =	vst v63  }
0xc7: {  	_ =	swait.ge [sflag:s5], $0x2800  }
0xc8: {  	[sflag:s5] =	ssyncset.done $0x0  }
0xc9: {  	[sflag:s5] =	ssyncadd.s32 $0xFFFFD800  }
0xca: {  	[spmem:s25] =	stream.linear.scatter [tilespmem:s4], [sflag:$0x2], $0x2800, $0x38;
	[tilespmem:$0x19100] =	vst v63  }
0xcb: {  	_ =	swait.ge [sflag:s5], $0x2800  }
0xcc: {  	[sflag:s5] =	ssyncset.done $0x0  }
0xcd: {  	[sflag:s5] =	ssyncadd.s32 $0xFFFFD800  }
0xce: {  	[spmem:s26] =	stream.linear.scatter [tilespmem:s4], [sflag:$0x2], $0x2800, $0x38;
	[tilespmem:$0x19100] =	vst v63  }
0xcf: {  	_ =	swait.ge [sflag:s5], $0x2800  }
0xd0: {  	[sflag:s5] =	ssyncset.done $0x0  }
0xd1: {  	[sflag:s5] =	ssyncadd.s32 $0xFFFFD800  }
0xd2: {  	[spmem:s28] =	stream.linear.scatter [tilespmem:s4], [sflag:$0x2], $0x2800, $0x38;
	[tilespmem:$0x19100] =	vst v63  }
0xd3: {  	_ =	swait.ge [sflag:s5], $0x2800  }
0xd4: {  	[sflag:s5] =	ssyncset.done $0x0  }
0xd5: {  	[sflag:s5] =	ssyncadd.s32 $0xFFFFD800  }
0xd6: {  	[spmem:s29] =	stream.linear.scatter [tilespmem:s4], [sflag:$0x2], $0x2800, $0x38;
	[tilespmem:$0x19100] =	vst v63  }
0xd7: {  	_ =	swait.ge [sflag:s5], $0x2800  }
0xd8: {  	[sflag:s5] =	ssyncset.done $0x0  }
0xd9: {  	[sflag:s5] =	ssyncadd.s32 $0xFFFFD800  }
0xda: {  	[spmem:s30] =	stream.linear.scatter [tilespmem:s4], [sflag:$0x2], $0x2800, $0x38;
	[tilespmem:$0x19100] =	vst v63  }
0xdb: {  	_ =	swait.ge [sflag:s5], $0x2800  }
0xdc: {  	[sflag:s5] =	ssyncset.done $0x0  }
0xdd: {  	[sflag:s5] =	ssyncadd.s32 $0xFFFFD800  }
0xde: {  	[spmem:s31] =	stream.linear.scatter [tilespmem:s4], [sflag:$0x2], $0x2800, $0x38;
	[tilespmem:$0x19100] =	vst v63  }
0xdf: {  	_ =	swait.ge [sflag:s5], $0x2800  }
0xe0: {  	[sflag:s5] =	ssyncset.done $0x0  }
0xe1: {  	[sflag:s5] =	ssyncadd.s32 $0xFFFFD800  }
0xe2: {  	s15 =	sadd.s32 $0x0, s0;
	[bflag:$0x0] =	sbarrier.arrive $0xFFFF  }
0xe3: {  	[tilespmem:s7], [sflag:$0x2] =	stream.linear.gather [hbm4b:s15+s1], $0x50, $0x38;
	[tilespmem:$0x19100] =	vst v63  }
0xe4: {  	_ =	swait.ge [sflag:s5], $0x50  }
0xe5: {  	[sflag:s5] =	ssyncset.done $0x0  }
0xe6: {  	[sflag:s5] =	ssyncadd.s32 $0xFFFFFFB0  }
0xe7: {  	[spmem:s19] =	stream.indirect.scatter.add.f32 [tilespmem:s6], [sflag:$0x2], $0x80, s7, s8, $0xb8;
	[tilespmem:$0x19100] =	vst v63  }
0xe8: {  	_ =	swait.ge [sflag:s5], $0x2800  }
0xe9: {  	s12 =	simm.s32 $0x14;
	s11 =	simm.s32 $0xA;
	[sflag:s5] =	ssyncset.done $0x0  }
.LBB2_4:
0xea: {  	s13 =	sadd.s32 s11, s0  }
0xeb: {  	[sflag:s5] =	ssyncadd.s32 $0xFFFFD800;
	s11 =	smov.u32 s12;
	s14 =	sadd.s32 $0xA, s12  }
0xec: {  	[tilespmem:s7], [sflag:$0x2] =	stream.linear.gather [hbm4b:s13+s1], $0x50, $0x38;
	[tilespmem:$0x19100] =	vst v63  }
0xed: {  	p0 =	sne.s32 s12, $0x4F6;
	_ =	swait.ge [sflag:s5], $0x50  }
.Ltmp1:
0xee: {  	[sflag:s5] =	ssyncset.done $0x0;
	(pc) =	sbr.rel @p0 .LBB2_4-.Ltmp1, $4  }
0xef: {  	[sflag:s5] =	ssyncadd.s32 $0xFFFFFFB0  }
0xf0: {  	[spmem:s19] =	stream.indirect.scatter.add.f32 [tilespmem:s6], [sflag:$0x2], $0x80, s7, s8, $0xb8;
	[tilespmem:$0x19100] =	vst v63  }
0xf1: {  	_ =	swait.ge [sflag:s5], $0x2800  }
0xf2: {  	s12 =	smov.u32 s14;
	[sflag:s5] =	ssyncset.done $0x0  }
0xf3: {  	s11 =	sadd.s32 s11, s0;
	[sflag:s5] =	ssyncadd.s32 $0xFFFFD800  }
0xf4: {  	[tilespmem:s7], [sflag:$0x2] =	stream.linear.gather [hbm4b:s11+s1], $0x50, $0x38;
	[tilespmem:$0x19100] =	vst v63  }
0xf5: {  	_ =	swait.ge [sflag:s5], $0x50  }
0xf6: {  	[sflag:s5] =	ssyncset.done $0x0  }
0xf7: {  	[sflag:s5] =	ssyncadd.s32 $0xFFFFFFB0  }
0xf8: {  	[spmem:s19] =	stream.indirect.scatter.add.f32 [tilespmem:s6], [sflag:$0x2], $0x80, s7, s8, $0xb8;
	[tilespmem:$0x19100] =	vst v63  }
0xf9: {  	_ =	swait.ge [sflag:s5], $0x2800  }
0xfa: {  	[sflag:s5] =	ssyncset.done $0x0  }
0xfb: {  	[sflag:s5] =	ssyncadd.s32 $0xFFFFD800  }
0xfc: {  	[bflag:$0x0] =	sbarrier.arrive $0xFFFF  }
0xfd: {  	[tilespmem:s4], [sflag:$0x2] =	stream.linear.gather [spmem:s23], $0x2800, $0x38;
	[tilespmem:$0x19100] =	vst v63  }
0xfe: {  	_ =	swait.ge [sflag:s5], $0x2800  }
0xff: {  	[sflag:s5] =	ssyncset.done $0x0  }
0x100: {  	s14 =	rddreg [dreg:$0xc];
	[sflag:s5] =	ssyncadd.s32 $0xFFFFD800  }
0x101: {  	[hbm4b:s14+s1] =	stream.linear.scatter [tilespmem:s4], [sflag:$0x2], $0x2800, $0x38;
	[tilespmem:$0x19100] =	vst v63  }
0x102: {  	_ =	swait.ge [sflag:s5], $0x2800  }
0x103: {  	[sflag:s5] =	ssyncset.done $0x0  }
0x104: {  	[sflag:s5] =	ssyncadd.s32 $0xFFFFD800  }
0x105: {  	[tilespmem:s4], [sflag:$0x2] =	stream.linear.gather [spmem:s24], $0x2800, $0x38;
	[tilespmem:$0x19100] =	vst v63  }
0x106: {  	_ =	swait.ge [sflag:s5], $0x2800  }
0x107: {  	[sflag:s5] =	ssyncset.done $0x0  }
0x108: {  	s15 =	rddreg [dreg:$0xd];
	[sflag:s5] =	ssyncadd.s32 $0xFFFFD800  }
0x109: {  	[hbm4b:s15+s1] =	stream.linear.scatter [tilespmem:s4], [sflag:$0x2], $0x2800, $0x38;
	[tilespmem:$0x19100] =	vst v63  }
0x10a: {  	_ =	swait.ge [sflag:s5], $0x2800  }
0x10b: {  	[sflag:s5] =	ssyncset.done $0x0  }
0x10c: {  	[sflag:s5] =	ssyncadd.s32 $0xFFFFD800  }
0x10d: {  	[tilespmem:s4], [sflag:$0x2] =	stream.linear.gather [spmem:s25], $0x2800, $0x38;
	[tilespmem:$0x19100] =	vst v63  }
0x10e: {  	_ =	swait.ge [sflag:s5], $0x2800  }
0x10f: {  	[sflag:s5] =	ssyncset.done $0x0  }
0x110: {  	s12 =	rddreg [dreg:$0xe];
	[sflag:s5] =	ssyncadd.s32 $0xFFFFD800  }
0x111: {  	[hbm4b:s12+s1] =	stream.linear.scatter [tilespmem:s4], [sflag:$0x2], $0x2800, $0x38;
	[tilespmem:$0x19100] =	vst v63  }
0x112: {  	_ =	swait.ge [sflag:s5], $0x2800  }
0x113: {  	[sflag:s5] =	ssyncset.done $0x0  }
0x114: {  	[sflag:s5] =	ssyncadd.s32 $0xFFFFD800  }
0x115: {  	[tilespmem:s4], [sflag:$0x2] =	stream.linear.gather [spmem:s26], $0x2800, $0x38;
	[tilespmem:$0x19100] =	vst v63  }
0x116: {  	_ =	swait.ge [sflag:s5], $0x2800  }
0x117: {  	[sflag:s5] =	ssyncset.done $0x0  }
0x118: {  	s13 =	rddreg [dreg:$0xf];
	[sflag:s5] =	ssyncadd.s32 $0xFFFFD800  }
0x119: {  	[hbm4b:s13+s1] =	stream.linear.scatter [tilespmem:s4], [sflag:$0x2], $0x2800, $0x38;
	[tilespmem:$0x19100] =	vst v63  }
0x11a: {  	_ =	swait.ge [sflag:s5], $0x2800  }
0x11b: {  	[sflag:s5] =	ssyncset.done $0x0  }
0x11c: {  	[sflag:s5] =	ssyncadd.s32 $0xFFFFD800  }
0x11d: {  	[tilespmem:s4], [sflag:$0x2] =	stream.linear.gather [spmem:s28], $0x2800, $0x38;
	[tilespmem:$0x19100] =	vst v63  }
0x11e: {  	_ =	swait.ge [sflag:s5], $0x2800  }
0x11f: {  	[sflag:s5] =	ssyncset.done $0x0  }
0x120: {  	s14 =	rddreg [dreg:$0x10];
	[sflag:s5] =	ssyncadd.s32 $0xFFFFD800  }
0x121: {  	[hbm4b:s14+s1] =	stream.linear.scatter [tilespmem:s4], [sflag:$0x2], $0x2800, $0x38;
	[tilespmem:$0x19100] =	vst v63  }
0x122: {  	_ =	swait.ge [sflag:s5], $0x2800  }
0x123: {  	[sflag:s5] =	ssyncset.done $0x0  }
0x124: {  	[sflag:s5] =	ssyncadd.s32 $0xFFFFD800  }
0x125: {  	[tilespmem:s4], [sflag:$0x2] =	stream.linear.gather [spmem:s29], $0x2800, $0x38;
	[tilespmem:$0x19100] =	vst v63  }
0x126: {  	_ =	swait.ge [sflag:s5], $0x2800  }
0x127: {  	[sflag:s5] =	ssyncset.done $0x0  }
0x128: {  	s15 =	rddreg [dreg:$0x11];
	[sflag:s5] =	ssyncadd.s32 $0xFFFFD800  }
0x129: {  	[hbm4b:s15+s1] =	stream.linear.scatter [tilespmem:s4], [sflag:$0x2], $0x2800, $0x38;
	[tilespmem:$0x19100] =	vst v63  }
0x12a: {  	_ =	swait.ge [sflag:s5], $0x2800  }
0x12b: {  	[sflag:s5] =	ssyncset.done $0x0  }
0x12c: {  	[sflag:s5] =	ssyncadd.s32 $0xFFFFD800  }
0x12d: {  	[tilespmem:s4], [sflag:$0x2] =	stream.linear.gather [spmem:s30], $0x2800, $0x38;
	[tilespmem:$0x19100] =	vst v63  }
0x12e: {  	_ =	swait.ge [sflag:s5], $0x2800  }
0x12f: {  	[sflag:s5] =	ssyncset.done $0x0  }
0x130: {  	[sflag:s5] =	ssyncadd.s32 $0xFFFFD800  }
0x131: {  	[hbm4b:s18+s1] =	stream.linear.scatter [tilespmem:s4], [sflag:$0x2], $0x2800, $0x38;
	[tilespmem:$0x19100] =	vst v63  }
0x132: {  	_ =	swait.ge [sflag:s5], $0x2800  }
0x133: {  	[sflag:s5] =	ssyncset.done $0x0  }
0x134: {  	[sflag:s5] =	ssyncadd.s32 $0xFFFFD800  }
0x135: {  	[tilespmem:s4], [sflag:$0x2] =	stream.linear.gather [spmem:s31], $0x2800, $0x38;
	[tilespmem:$0x19100] =	vst v63  }
0x136: {  	s10 =	sadd.s32 $0x1, s10;
	_ =	swait.ge [sflag:s5], $0x2800  }
0x137: {  	p0 =	sne.s32 s10, s16;
	[sflag:s5] =	ssyncset.done $0x0  }
.Ltmp2:
0x138: {  	[sflag:s5] =	ssyncadd.s32 $0xFFFFD800;
	(pc) =	sbr.rel @p0 .LBB2_1-.Ltmp2, $4  }
0x139: {  	[hbm4b:s20+s1] =	stream.linear.scatter [tilespmem:s4], [sflag:$0x2], $0x2800, $0x38;
	[tilespmem:$0x19100] =	vst v63  }
0x13a: {  	_ =	swait.ge [sflag:s5], $0x2800  }
0x13b: {  	[sflag:s5] =	ssyncset.done $0x0  }
0x13c: {  	[sflag:s5] =	ssyncadd.s32 $0xFFFFD800  }
0x13d: {  	_ =	sfence.sel $0x180000  }
0x13e: {  	[bflag:$0x0] =	sbarrier.arrive $0xFFFF  }
0x13f: {  	_ =	strace $0x90000047  }
0x140: {  	s0 =	stileid.u32;
	[bflag:$0x2] =	sbarrier.arrive $0xFFFF  }
0x141: {  	p0 =	sne.s32 s0, $0x0;
	s0 =	rddreg [dreg:$0x3]  }
0x142: {  	s0 =	sadd.s32 @!p0 $0x100000, s0  }
0x143: {  	[sflag:s0] =	ssyncadd.tile.s32 @!p0 $0x1;
	_ =	shalt  }
.Lfunc_end2:
_tile_overlayer_lowered:
.L_overlay_start_2:
0x144: {  	(tag) =	ssettag $0x2  }
0x145: {  	s0 =	rddreg [dreg:$0x0];
	s2 =	stileid.u32  }
0x146: {  	s1 =	rddreg [dreg:$0x1];
	p0 =	sne.s32 s2, $0x0  }
0x147: {  	s3 =	rddreg [dreg:$0x2];
	[bflag:$0x3] =	sbarrier.arrive $0xFFFF;
	s2 =	simm.s32 @!p0 $0x1C02  }
0x148: {  	[timem:s3], [sflag:s2] =	dma.local @!p0 [hbm:s0], s1  }
0x149: {  	s0 =	simm.s32 @!p0 $0x2  }
0x14a: {  	_ =	swait.ge @!p0 [sflag:s0], s1  }
0x14b: {  	s1 =	ssub.s32 @!p0 $0x0, s1;
	[sflag:s0] =	ssyncset.done @!p0 $0x0  }
0x14c: {  	[sflag:s0] =	ssyncadd.s32 @!p0 s1  }
0x14d: {  	[bflag:$0x3] =	sbarrier.arrive $0xFFFF  }
0x14e: {  	_ =	shalt  }

</sc_bundles>
